<compile_context>
chip_gen: v7x
topology: tpu7x:2x2x1
jax: 0.10.2.dev20260603
libtpu: 0.0.44.dev20260713+nightly
codegen_flags: <defaults>
</compile_context>

<pallas_src>
import functools

import jax
import jax.numpy as jnp
from jax import lax
from jax.experimental import pallas as pl
from jax.experimental.pallas import tpu as pltpu
from jax.experimental.pallas import tpu_sc as plsc

_SC_BATCHES = 8
_SC_CHUNK = 16384


def _sc_sqrt(a):
    seed = jnp.where(
        a > 1e-2,
        jnp.float32(0.3),
        jnp.where(
            a > 1e-4,
            jnp.float32(0.03),
            jnp.where(a > 1e-6, jnp.float32(3e-3), jnp.float32(2e-4)),
        ),
    )
    x = jnp.broadcast_to(seed, a.shape)
    for _ in range(8):
        x = 0.5 * (x + a / x)
    return x




def _sc_dense_body(
    t_hbm, ab_hbm, x0_hbm, ns_hbm, out_hbm,
    t16, ab16, x0b, nsb, outb, semg, semx0, semx1, semn0, semn1,
    *, K, C, W, NC,
):
    cid = lax.axis_index("c")
    sid = lax.axis_index("s")
    wid = sid * NC + cid
    total = out_hbm.shape[0]
    elems = total // W
    spb = W // K
    bid = wid // spb
    base = wid * elems

    pltpu.async_copy(t_hbm.at[jnp.full((16,), bid, jnp.int32)], t16, semg).wait()
    pltpu.async_copy(ab_hbm.at[t16], ab16, semg).wait()
    ab = ab16[...]
    sa = _sc_sqrt(ab)
    sb = _sc_sqrt(1.0 - ab)

    sems = ((semx0, semn0), (semx1, semn1))

    def start(c, b):
        sx, sn = sems[b]
        h1 = pltpu.async_copy(x0_hbm.at[pl.ds(base + c * C, C)], x0b.at[b], sx)
        h2 = pltpu.async_copy(ns_hbm.at[pl.ds(base + c * C, C)], nsb.at[b], sn)
        return h1, h2

    nch = elems // C
    U = 8

    hs = start(0, 0)
    for c in range(nch):
        b = c & 1
        nxt = start(c + 1, 1 - b) if c + 1 < nch else None
        hs[0].wait()
        hs[1].wait()

        def body(i, _, b=b):
            for k in range(U):
                off = (i * U + k) * 16
                x = x0b[b, pl.ds(off, 16)]
                n = nsb[b, pl.ds(off, 16)]
                outb[b, pl.ds(off, 16)] = sa * x + sb * n
            return 0

        lax.fori_loop(0, C // (16 * U), body, 0)
        pltpu.sync_copy(outb.at[b], out_hbm.at[pl.ds(base + c * C, C)])
        hs = nxt


def _sc_dense(t, alpha_bars, x0f, nsf, K, C, n_per_batch):
    info = plsc.get_sparse_core_info()
    NC, NS = info.num_cores, info.num_subcores
    W = NC * NS
    mesh = plsc.VectorSubcoreMesh(core_axis_name="c", subcore_axis_name="s")
    n_out = K * n_per_batch
    fn = functools.partial(
        pl.kernel,
        mesh=mesh,
        out_type=jax.ShapeDtypeStruct((n_out,), jnp.float32),
        scratch_types=[
            pltpu.VMEM((16,), jnp.int32),
            pltpu.VMEM((16,), jnp.float32),
            pltpu.VMEM((2, C), jnp.float32),
            pltpu.VMEM((2, C), jnp.float32),
            pltpu.VMEM((2, C), jnp.float32),
            pltpu.SemaphoreType.DMA,
            pltpu.SemaphoreType.DMA,
            pltpu.SemaphoreType.DMA,
            pltpu.SemaphoreType.DMA,
            pltpu.SemaphoreType.DMA,
        ],
    )(functools.partial(_sc_dense_body, K=K, C=C, W=W, NC=NC))
    return fn(t, alpha_bars, x0f, nsf)




def _qsample_body(t_ref, ab_ref, x0_ref, noise_ref, out_ref, *, nb, k0):
    g = pl.program_id(0)
    for j in range(nb):
        b = k0 + g * nb + j
        ab = ab_ref[t_ref[b]]
        sa = jnp.sqrt(ab)
        sb = jnp.sqrt(1.0 - ab)
        out_ref[j] = sa * x0_ref[j] + sb * noise_ref[j]


@jax.jit
def kernel(x0, t, noise, alpha_bars):
    B, L, D = x0.shape
    K = _SC_BATCHES
    NB = 4

    x0f = x0.reshape(-1)
    nsf = noise.reshape(-1)
    sc_out = _sc_dense(t, alpha_bars, x0f, nsf, K, _SC_CHUNK, L * D)

    grid = ((B - K) // NB,)
    blk = pl.BlockSpec((NB, L, D), lambda g: (g + K // NB, 0, 0))
    tc_out = pl.pallas_call(
        functools.partial(_qsample_body, nb=NB, k0=K),
        grid=grid,
        in_specs=[
            pl.BlockSpec(memory_space=pltpu.SMEM),
            pl.BlockSpec(memory_space=pltpu.SMEM),
            blk,
            blk,
        ],
        out_specs=blk,
        out_shape=jax.ShapeDtypeStruct((B, L, D), jnp.float32),
        compiler_params=pltpu.CompilerParams(
            dimension_semantics=("parallel",),
        ),
    )(t, alpha_bars, x0, noise)

    return lax.dynamic_update_slice(tc_out, sc_out.reshape(K, L, D), (0, 0, 0))

# --- scband reference (transcript-rebuilt; emitter-appended) ---
"""Pipeline reference for scband-diffusion-schedule-2130303779173 (READ-ONLY COPY).

The authoritative reference and input builder live on the scoring server;
editing this copy changes nothing except your own understanding.
"""

import jax, jax.numpy as jnp
import numpy as np


def _alpha_bars(T, s=0.008, beta_end=0.02):
    steps = T + 1
    x = jnp.linspace(0.0, float(T), steps)
    ac = jnp.cos((x / T + s) / (1 + s) * jnp.pi * 0.5) ** 2
    ac = ac / ac[0]
    betas = 1.0 - ac[1:] / ac[:-1]
    betas = jnp.clip(betas, 0.0001, 0.9999) * beta_end
    alphas = 1.0 - betas
    return jnp.cumprod(alphas)


def setup_inputs(seed: int = 0) -> dict:
    key = jax.random.key(seed)
    k1, k2, k3 = jax.random.split(key, 3)
    B, L, D, T = 64, 2048, 128, 1000
    x0 = jax.random.normal(k1, (B, L, D), dtype=jnp.float32)
    noise = jax.random.normal(k2, (B, L, D), dtype=jnp.float32)
    t = jax.random.randint(k3, (B,), 0, T, dtype=jnp.int32)
    alpha_bars = _alpha_bars(T).astype(jnp.float32)
    return {"x0": x0, "t": t, "noise": noise, "alpha_bars": alpha_bars}


def reference(x0, t, noise, alpha_bars):
    # DiffusionSchedule.q_sample: xt = sqrt(ab_t)*x0 + sqrt(1-ab_t)*noise
    ab = jnp.take(alpha_bars, t, axis=0).reshape(-1, 1, 1)
    xt = jnp.sqrt(ab) * x0 + jnp.sqrt(1.0 - ab) * noise
    return xt

if __name__ == "__main__":
    import jax
    _d = setup_inputs()
    print(jax.jit(kernel)(*tuple(_d.values())))

</pallas_src>

<mosaic_0001>
#map = affine_map<(d0, d1) -> (0)>
module attributes {stable_mosaic.version = 14 : i64} {
  func.func @_sc_dense_body(%arg0: i32, %arg1: i32, %arg2: memref<64xi32, #tpu.memory_space<hbm>>, %arg3: memref<1000xf32, #tpu.memory_space<hbm>>, %arg4: memref<16777216xf32, #tpu.memory_space<hbm>>, %arg5: memref<16777216xf32, #tpu.memory_space<hbm>>, %arg6: memref<2097152xf32, #tpu.memory_space<hbm>>, %arg7: memref<16xi32, #tpu.memory_space<vmem>>, %arg8: memref<16xf32, #tpu.memory_space<vmem>>, %arg9: memref<2x16384xf32, #tpu.memory_space<vmem>>, %arg10: memref<2x16384xf32, #tpu.memory_space<vmem>>, %arg11: memref<2x16384xf32, #tpu.memory_space<vmem>>, %arg12: memref<!tpu.dma_semaphore, #tpu.memory_space<semaphore_mem>>, %arg13: memref<!tpu.dma_semaphore, #tpu.memory_space<semaphore_mem>>, %arg14: memref<!tpu.dma_semaphore, #tpu.memory_space<semaphore_mem>>, %arg15: memref<!tpu.dma_semaphore, #tpu.memory_space<semaphore_mem>>, %arg16: memref<!tpu.dma_semaphore, #tpu.memory_space<semaphore_mem>>) attributes {dimension_semantics = [#tpu.dimension_semantics<core_parallel>, #tpu.dimension_semantics<subcore_parallel>], iteration_bounds = array<i64: 2, 16>, scalar_prefetch = 0 : i64, scratch_operands = 10 : i64, tpu.core_type = #tpu.core_type<sc_vector_subcore>, window_params = [{transform_indices = #map}, {transform_indices = #map}, {transform_indices = #map}, {transform_indices = #map}, {transform_indices = #map}]} {
    %mul3A = arith.constant 2 : i32
    %mul3A_0 = arith.muli %arg1, %mul3A : i32
    %add3A = arith.addi %mul3A_0, %arg0 : i32
    %jit3A = arith.constant 4 : i32
    %div3A = arith.divsi %add3A, %jit3A : i32
    %sign3A = arith.constant 0 : i32
    %sign3A_1 = arith.cmpi sgt, %add3A, %sign3A : i32
    %sign3A_2 = arith.extui %sign3A_1 : i1 to i32
    %sign3A_3 = arith.constant 0 : i32
    %sign3A_4 = arith.cmpi slt, %add3A, %sign3A_3 : i32
    %sign3A_5 = arith.extui %sign3A_4 : i1 to i32
    %sign3A_6 = arith.subi %sign3A_2, %sign3A_5 : i32
    %sign3A_7 = arith.constant 0 : i32
    %sign3A_8 = arith.cmpi sgt, %jit3A, %sign3A_7 : i32
    %sign3A_9 = arith.extui %sign3A_8 : i1 to i32
    %sign3A_10 = arith.constant 0 : i32
    %sign3A_11 = arith.cmpi slt, %jit3A, %sign3A_10 : i32
    %sign3A_12 = arith.extui %sign3A_11 : i1 to i32
    %sign3A_13 = arith.subi %sign3A_9, %sign3A_12 : i32
    %ne3A = arith.cmpi ne, %sign3A_6, %sign3A_13 : i32
    %rem3A = arith.remsi %add3A, %jit3A : i32
    %ne3A_14 = arith.constant 0 : i32
    %ne3A_15 = arith.cmpi ne, %rem3A, %ne3A_14 : i32
    %and3A = arith.andi %ne3A, %ne3A_15 : i1
    %sub3A = arith.constant 1 : i32
    %sub3A_16 = arith.subi %div3A, %sub3A : i32
    %select_n3A = arith.select %and3A, %sub3A_16, %div3A : i32
    %mul3A_17 = arith.constant 65536 : i32
    %mul3A_18 = arith.muli %add3A, %mul3A_17 : i32
    %broadcast_in_dim3A = vector.broadcast %select_n3A : i32 to vector<16xi32>
    %dma_start3A = arith.constant 0 : i32
    %dma_start3A_19 = tpu.memref_slice %arg2[%dma_start3A] : memref<64xi32, #tpu.memory_space<hbm>> -> memref<64xi32, #tpu.memory_space<hbm>>
    tpu.enqueue_indirect_dma source(%dma_start3A_19 : memref<64xi32, #tpu.memory_space<hbm>>) target(%arg7 : memref<16xi32, #tpu.memory_space<vmem>>) offsets(%broadcast_in_dim3A : vector<16xi32>) semaphore(%arg12 : memref<!tpu.dma_semaphore, #tpu.memory_space<semaphore_mem>>)
    %dma_wait3A = arith.constant 0 : i32
    %dma_wait3A_20 = tpu.memref_slice %arg2[%dma_wait3A] : memref<64xi32, #tpu.memory_space<hbm>> -> memref<64xi32, #tpu.memory_space<hbm>>
    tpu.wait_indirect_dma semaphore(%arg12 : memref<!tpu.dma_semaphore, #tpu.memory_space<semaphore_mem>>) src(%dma_wait3A_20 : memref<64xi32, #tpu.memory_space<hbm>>) dst(%arg7 : memref<16xi32, #tpu.memory_space<vmem>>)
    %dma_start3A_21 = arith.constant 0 : i32
    %dma_start3A_22 = tpu.memref_slice %arg3[%dma_start3A_21] : memref<1000xf32, #tpu.memory_space<hbm>> -> memref<1000xf32, #tpu.memory_space<hbm>>
    tpu.enqueue_indirect_dma source(%dma_start3A_22 : memref<1000xf32, #tpu.memory_space<hbm>>) target(%arg8 : memref<16xf32, #tpu.memory_space<vmem>>) offsets(%arg7 : memref<16xi32, #tpu.memory_space<vmem>>) semaphore(%arg12 : memref<!tpu.dma_semaphore, #tpu.memory_space<semaphore_mem>>)
    %dma_wait3A_23 = arith.constant 0 : i32
    %dma_wait3A_24 = tpu.memref_slice %arg3[%dma_wait3A_23] : memref<1000xf32, #tpu.memory_space<hbm>> -> memref<1000xf32, #tpu.memory_space<hbm>>
    tpu.wait_indirect_dma semaphore(%arg12 : memref<!tpu.dma_semaphore, #tpu.memory_space<semaphore_mem>>) src(%dma_wait3A_24 : memref<1000xf32, #tpu.memory_space<hbm>>) dst(%arg8 : memref<16xf32, #tpu.memory_space<vmem>>)
    %get3A = arith.constant 0 : index
    %get3A_25 = tpu.vector_load %arg8[%get3A] {strides = array<i32>} : memref<16xf32, #tpu.memory_space<vmem>>, vector<16xf32>,
    %get3A_26 = vector.shape_cast %get3A_25 : vector<16xf32> to vector<16xf32>
    %gt3A = arith.constant 0.00999999977 : f32
    %gt3A_27 = vector.broadcast %gt3A : f32 to vector<16xf32>
    %gt3A_28 = arith.cmpf ogt, %get3A_26, %gt3A_27 : vector<16xf32>
    %gt3A_29 = arith.constant 9.99999974E-5 : f32
    %gt3A_30 = vector.broadcast %gt3A_29 : f32 to vector<16xf32>
    %gt3A_31 = arith.cmpf ogt, %get3A_26, %gt3A_30 : vector<16xf32>
    %gt3A_32 = arith.constant 9.99999997E-7 : f32
    %gt3A_33 = vector.broadcast %gt3A_32 : f32 to vector<16xf32>
    %gt3A_34 = arith.cmpf ogt, %get3A_26, %gt3A_33 : vector<16xf32>
    %jit3A_35 = arith.constant 3.000000e-03 : f32
    %jit3A_36 = arith.constant 2.000000e-04 : f32
    %broadcast_in_dim3A_37 = vector.broadcast %jit3A_35 : f32 to vector<16xf32>
    %broadcast_in_dim3A_38 = vector.broadcast %jit3A_36 : f32 to vector<16xf32>
    %select_n3A_39 = arith.select %gt3A_34, %broadcast_in_dim3A_37, %broadcast_in_dim3A_38 : vector<16xi1>, vector<16xf32>
    %jit3A_40 = arith.constant 3.000000e-02 : f32
    %broadcast_in_dim3A_41 = vector.broadcast %jit3A_40 : f32 to vector<16xf32>
    %select_n3A_42 = arith.select %gt3A_31, %broadcast_in_dim3A_41, %select_n3A_39 : vector<16xi1>, vector<16xf32>
    %jit3A_43 = arith.constant 3.000000e-01 : f32
    %broadcast_in_dim3A_44 = vector.broadcast %jit3A_43 : f32 to vector<16xf32>
    %select_n3A_45 = arith.select %gt3A_28, %broadcast_in_dim3A_44, %select_n3A_42 : vector<16xi1>, vector<16xf32>
    %div3A_46 = arith.divf %get3A_26, %select_n3A_45 : vector<16xf32>
    %add3A_47 = arith.addf %select_n3A_45, %div3A_46 : vector<16xf32>
    %mul3A_48 = arith.constant 5.000000e-01 : f32
    %mul3A_49 = vector.broadcast %mul3A_48 : f32 to vector<16xf32>
    %mul3A_50 = arith.mulf %mul3A_49, %add3A_47 : vector<16xf32>
    %div3A_51 = arith.divf %get3A_26, %mul3A_50 : vector<16xf32>
    %add3A_52 = arith.addf %mul3A_50, %div3A_51 : vector<16xf32>
    %mul3A_53 = arith.constant 5.000000e-01 : f32
    %mul3A_54 = vector.broadcast %mul3A_53 : f32 to vector<16xf32>
    %mul3A_55 = arith.mulf %mul3A_54, %add3A_52 : vector<16xf32>
    %div3A_56 = arith.divf %get3A_26, %mul3A_55 : vector<16xf32>
    %add3A_57 = arith.addf %mul3A_55, %div3A_56 : vector<16xf32>
    %mul3A_58 = arith.constant 5.000000e-01 : f32
    %mul3A_59 = vector.broadcast %mul3A_58 : f32 to vector<16xf32>
    %mul3A_60 = arith.mulf %mul3A_59, %add3A_57 : vector<16xf32>
    %div3A_61 = arith.divf %get3A_26, %mul3A_60 : vector<16xf32>
    %add3A_62 = arith.addf %mul3A_60, %div3A_61 : vector<16xf32>
    %mul3A_63 = arith.constant 5.000000e-01 : f32
    %mul3A_64 = vector.broadcast %mul3A_63 : f32 to vector<16xf32>
    %mul3A_65 = arith.mulf %mul3A_64, %add3A_62 : vector<16xf32>
    %div3A_66 = arith.divf %get3A_26, %mul3A_65 : vector<16xf32>
    %add3A_67 = arith.addf %mul3A_65, %div3A_66 : vector<16xf32>
    %mul3A_68 = arith.constant 5.000000e-01 : f32
    %mul3A_69 = vector.broadcast %mul3A_68 : f32 to vector<16xf32>
    %mul3A_70 = arith.mulf %mul3A_69, %add3A_67 : vector<16xf32>
    %div3A_71 = arith.divf %get3A_26, %mul3A_70 : vector<16xf32>
    %add3A_72 = arith.addf %mul3A_70, %div3A_71 : vector<16xf32>
    %mul3A_73 = arith.constant 5.000000e-01 : f32
    %mul3A_74 = vector.broadcast %mul3A_73 : f32 to vector<16xf32>
    %mul3A_75 = arith.mulf %mul3A_74, %add3A_72 : vector<16xf32>
    %div3A_76 = arith.divf %get3A_26, %mul3A_75 : vector<16xf32>
    %add3A_77 = arith.addf %mul3A_75, %div3A_76 : vector<16xf32>
    %mul3A_78 = arith.constant 5.000000e-01 : f32
    %mul3A_79 = vector.broadcast %mul3A_78 : f32 to vector<16xf32>
    %mul3A_80 = arith.mulf %mul3A_79, %add3A_77 : vector<16xf32>
    %div3A_81 = arith.divf %get3A_26, %mul3A_80 : vector<16xf32>
    %add3A_82 = arith.addf %mul3A_80, %div3A_81 : vector<16xf32>
    %mul3A_83 = arith.constant 5.000000e-01 : f32
    %mul3A_84 = vector.broadcast %mul3A_83 : f32 to vector<16xf32>
    %mul3A_85 = arith.mulf %mul3A_84, %add3A_82 : vector<16xf32>
    %sub3A_86 = arith.constant 1.000000e+00 : f32
    %sub3A_87 = vector.broadcast %sub3A_86 : f32 to vector<16xf32>
    %sub3A_88 = arith.subf %sub3A_87, %get3A_26 : vector<16xf32>
    %gt3A_89 = arith.constant 0.00999999977 : f32
    %gt3A_90 = vector.broadcast %gt3A_89 : f32 to vector<16xf32>
    %gt3A_91 = arith.cmpf ogt, %sub3A_88, %gt3A_90 : vector<16xf32>
    %gt3A_92 = arith.constant 9.99999974E-5 : f32
    %gt3A_93 = vector.broadcast %gt3A_92 : f32 to vector<16xf32>
    %gt3A_94 = arith.cmpf ogt, %sub3A_88, %gt3A_93 : vector<16xf32>
    %gt3A_95 = arith.constant 9.99999997E-7 : f32
    %gt3A_96 = vector.broadcast %gt3A_95 : f32 to vector<16xf32>
    %gt3A_97 = arith.cmpf ogt, %sub3A_88, %gt3A_96 : vector<16xf32>
    %jit3A_98 = arith.constant 3.000000e-03 : f32
    %jit3A_99 = arith.constant 2.000000e-04 : f32
    %broadcast_in_dim3A_100 = vector.broadcast %jit3A_98 : f32 to vector<16xf32>
    %broadcast_in_dim3A_101 = vector.broadcast %jit3A_99 : f32 to vector<16xf32>
    %select_n3A_102 = arith.select %gt3A_97, %broadcast_in_dim3A_100, %broadcast_in_dim3A_101 : vector<16xi1>, vector<16xf32>
    %jit3A_103 = arith.constant 3.000000e-02 : f32
    %broadcast_in_dim3A_104 = vector.broadcast %jit3A_103 : f32 to vector<16xf32>
    %select_n3A_105 = arith.select %gt3A_94, %broadcast_in_dim3A_104, %select_n3A_102 : vector<16xi1>, vector<16xf32>
    %jit3A_106 = arith.constant 3.000000e-01 : f32
    %broadcast_in_dim3A_107 = vector.broadcast %jit3A_106 : f32 to vector<16xf32>
    %select_n3A_108 = arith.select %gt3A_91, %broadcast_in_dim3A_107, %select_n3A_105 : vector<16xi1>, vector<16xf32>
    %div3A_109 = arith.divf %sub3A_88, %select_n3A_108 : vector<16xf32>
    %add3A_110 = arith.addf %select_n3A_108, %div3A_109 : vector<16xf32>
    %mul3A_111 = arith.constant 5.000000e-01 : f32
    %mul3A_112 = vector.broadcast %mul3A_111 : f32 to vector<16xf32>
    %mul3A_113 = arith.mulf %mul3A_112, %add3A_110 : vector<16xf32>
    %div3A_114 = arith.divf %sub3A_88, %mul3A_113 : vector<16xf32>
    %add3A_115 = arith.addf %mul3A_113, %div3A_114 : vector<16xf32>
    %mul3A_116 = arith.constant 5.000000e-01 : f32
    %mul3A_117 = vector.broadcast %mul3A_116 : f32 to vector<16xf32>
    %mul3A_118 = arith.mulf %mul3A_117, %add3A_115 : vector<16xf32>
    %div3A_119 = arith.divf %sub3A_88, %mul3A_118 : vector<16xf32>
    %add3A_120 = arith.addf %mul3A_118, %div3A_119 : vector<16xf32>
    %mul3A_121 = arith.constant 5.000000e-01 : f32
    %mul3A_122 = vector.broadcast %mul3A_121 : f32 to vector<16xf32>
    %mul3A_123 = arith.mulf %mul3A_122, %add3A_120 : vector<16xf32>
    %div3A_124 = arith.divf %sub3A_88, %mul3A_123 : vector<16xf32>
    %add3A_125 = arith.addf %mul3A_123, %div3A_124 : vector<16xf32>
    %mul3A_126 = arith.constant 5.000000e-01 : f32
    %mul3A_127 = vector.broadcast %mul3A_126 : f32 to vector<16xf32>
    %mul3A_128 = arith.mulf %mul3A_127, %add3A_125 : vector<16xf32>
    %div3A_129 = arith.divf %sub3A_88, %mul3A_128 : vector<16xf32>
    %add3A_130 = arith.addf %mul3A_128, %div3A_129 : vector<16xf32>
    %mul3A_131 = arith.constant 5.000000e-01 : f32
    %mul3A_132 = vector.broadcast %mul3A_131 : f32 to vector<16xf32>
    %mul3A_133 = arith.mulf %mul3A_132, %add3A_130 : vector<16xf32>
    %div3A_134 = arith.divf %sub3A_88, %mul3A_133 : vector<16xf32>
    %add3A_135 = arith.addf %mul3A_133, %div3A_134 : vector<16xf32>
    %mul3A_136 = arith.constant 5.000000e-01 : f32
    %mul3A_137 = vector.broadcast %mul3A_136 : f32 to vector<16xf32>
    %mul3A_138 = arith.mulf %mul3A_137, %add3A_135 : vector<16xf32>
    %div3A_139 = arith.divf %sub3A_88, %mul3A_138 : vector<16xf32>
    %add3A_140 = arith.addf %mul3A_138, %div3A_139 : vector<16xf32>
    %mul3A_141 = arith.constant 5.000000e-01 : f32
    %mul3A_142 = vector.broadcast %mul3A_141 : f32 to vector<16xf32>
    %mul3A_143 = arith.mulf %mul3A_142, %add3A_140 : vector<16xf32>
    %div3A_144 = arith.divf %sub3A_88, %mul3A_143 : vector<16xf32>
    %add3A_145 = arith.addf %mul3A_143, %div3A_144 : vector<16xf32>
    %mul3A_146 = arith.constant 5.000000e-01 : f32
    %mul3A_147 = vector.broadcast %mul3A_146 : f32 to vector<16xf32>
    %mul3A_148 = arith.mulf %mul3A_147, %add3A_145 : vector<16xf32>
    %add3A_149 = arith.constant 0 : i32
    %add3A_150 = arith.addi %mul3A_18, %add3A_149 : i32
    %dma_start3A_151 = arith.constant 0 : i32
    %dma_start3A_152 = arith.constant 0 : i32
    %dma_start3A_153 = tpu.memref_slice %arg9[%dma_start3A_151, %dma_start3A_152] : memref<2x16384xf32, #tpu.memory_space<vmem>> -> memref<1x16384xf32, #tpu.memory_space<vmem>>
    %dma_start3A_154 = tpu.memref_squeeze %dma_start3A_153 : memref<1x16384xf32, #tpu.memory_space<vmem>> -> memref<16384xf32, #tpu.memory_space<vmem>>
    %dma_start3A_155 = tpu.memref_slice %arg4[%add3A_150] : memref<16777216xf32, #tpu.memory_space<hbm>> -> memref<16384xf32, #tpu.memory_space<hbm>>
    %dma_start3A_156 = arith.constant 0 : i32
    %dma_start3A_157 = tpu.memref_slice %arg9[%dma_start3A_151, %dma_start3A_156] : memref<2x16384xf32, #tpu.memory_space<vmem>> -> memref<1x16384xf32, #tpu.memory_space<vmem>>
    %dma_start3A_158 = tpu.memref_squeeze %dma_start3A_157 : memref<1x16384xf32, #tpu.memory_space<vmem>> -> memref<16384xf32, #tpu.memory_space<vmem>>
    %dma_start3A_159 = tpu.memref_slice %arg4[%add3A_150] : memref<16777216xf32, #tpu.memory_space<hbm>> -> memref<16384xf32, #tpu.memory_space<hbm>>
    tpu.enqueue_dma source(%dma_start3A_159 : memref<16384xf32, #tpu.memory_space<hbm>>) target(%dma_start3A_158 : memref<16384xf32, #tpu.memory_space<vmem>>) target_semaphore(%arg13 : memref<!tpu.dma_semaphore, #tpu.memory_space<semaphore_mem>>)
    %add3A_160 = arith.constant 0 : i32
    %add3A_161 = arith.addi %mul3A_18, %add3A_160 : i32
    %dma_start3A_162 = arith.constant 0 : i32
    %dma_start3A_163 = arith.constant 0 : i32
    %dma_start3A_164 = tpu.memref_slice %arg10[%dma_start3A_162, %dma_start3A_163] : memref<2x16384xf32, #tpu.memory_space<vmem>> -> memref<1x16384xf32, #tpu.memory_space<vmem>>
    %dma_start3A_165 = tpu.memref_squeeze %dma_start3A_164 : memref<1x16384xf32, #tpu.memory_space<vmem>> -> memref<16384xf32, #tpu.memory_space<vmem>>
    %dma_start3A_166 = tpu.memref_slice %arg5[%add3A_161] : memref<16777216xf32, #tpu.memory_space<hbm>> -> memref<16384xf32, #tpu.memory_space<hbm>>
    %dma_start3A_167 = arith.constant 0 : i32
    %dma_start3A_168 = tpu.memref_slice %arg10[%dma_start3A_162, %dma_start3A_167] : memref<2x16384xf32, #tpu.memory_space<vmem>> -> memref<1x16384xf32, #tpu.memory_space<vmem>>
    %dma_start3A_169 = tpu.memref_squeeze %dma_start3A_168 : memref<1x16384xf32, #tpu.memory_space<vmem>> -> memref<16384xf32, #tpu.memory_space<vmem>>
    %dma_start3A_170 = tpu.memref_slice %arg5[%add3A_161] : memref<16777216xf32, #tpu.memory_space<hbm>> -> memref<16384xf32, #tpu.memory_space<hbm>>
    tpu.enqueue_dma source(%dma_start3A_170 : memref<16384xf32, #tpu.memory_space<hbm>>) target(%dma_start3A_169 : memref<16384xf32, #tpu.memory_space<vmem>>) target_semaphore(%arg15 : memref<!tpu.dma_semaphore, #tpu.memory_space<semaphore_mem>>)
    %add3A_171 = arith.constant 16384 : i32
    %add3A_172 = arith.addi %mul3A_18, %add3A_171 : i32
    %dma_start3A_173 = arith.constant 1 : i32
    %dma_start3A_174 = arith.constant 0 : i32
    %dma_start3A_175 = tpu.memref_slice %arg9[%dma_start3A_173, %dma_start3A_174] : memref<2x16384xf32, #tpu.memory_space<vmem>> -> memref<1x16384xf32, #tpu.memory_space<vmem>>
    %dma_start3A_176 = tpu.memref_squeeze %dma_start3A_175 : memref<1x16384xf32, #tpu.memory_space<vmem>> -> memref<16384xf32, #tpu.memory_space<vmem>>
    %dma_start3A_177 = tpu.memref_slice %arg4[%add3A_172] : memref<16777216xf32, #tpu.memory_space<hbm>> -> memref<16384xf32, #tpu.memory_space<hbm>>
    %dma_start3A_178 = arith.constant 0 : i32
    %dma_start3A_179 = tpu.memref_slice %arg9[%dma_start3A_173, %dma_start3A_178] : memref<2x16384xf32, #tpu.memory_space<vmem>> -> memref<1x16384xf32, #tpu.memory_space<vmem>>
    %dma_start3A_180 = tpu.memref_squeeze %dma_start3A_179 : memref<1x16384xf32, #tpu.memory_space<vmem>> -> memref<16384xf32, #tpu.memory_space<vmem>>
    %dma_start3A_181 = tpu.memref_slice %arg4[%add3A_172] : memref<16777216xf32, #tpu.memory_space<hbm>> -> memref<16384xf32, #tpu.memory_space<hbm>>
    tpu.enqueue_dma source(%dma_start3A_181 : memref<16384xf32, #tpu.memory_space<hbm>>) target(%dma_start3A_180 : memref<16384xf32, #tpu.memory_space<vmem>>) target_semaphore(%arg14 : memref<!tpu.dma_semaphore, #tpu.memory_space<semaphore_mem>>)
    %add3A_182 = arith.constant 16384 : i32
    %add3A_183 = arith.addi %mul3A_18, %add3A_182 : i32
    %dma_start3A_184 = arith.constant 1 : i32
    %dma_start3A_185 = arith.constant 0 : i32
    %dma_start3A_186 = tpu.memref_slice %arg10[%dma_start3A_184, %dma_start3A_185] : memref<2x16384xf32, #tpu.memory_space<vmem>> -> memref<1x16384xf32, #tpu.memory_space<vmem>>
    %dma_start3A_187 = tpu.memref_squeeze %dma_start3A_186 : memref<1x16384xf32, #tpu.memory_space<vmem>> -> memref<16384xf32, #tpu.memory_space<vmem>>
    %dma_start3A_188 = tpu.memref_slice %arg5[%add3A_183] : memref<16777216xf32, #tpu.memory_space<hbm>> -> memref<16384xf32, #tpu.memory_space<hbm>>
    %dma_start3A_189 = arith.constant 0 : i32
    %dma_start3A_190 = tpu.memref_slice %arg10[%dma_start3A_184, %dma_start3A_189] : memref<2x16384xf32, #tpu.memory_space<vmem>> -> memref<1x16384xf32, #tpu.memory_space<vmem>>
    %dma_start3A_191 = tpu.memref_squeeze %dma_start3A_190 : memref<1x16384xf32, #tpu.memory_space<vmem>> -> memref<16384xf32, #tpu.memory_space<vmem>>
    %dma_start3A_192 = tpu.memref_slice %arg5[%add3A_183] : memref<16777216xf32, #tpu.memory_space<hbm>> -> memref<16384xf32, #tpu.memory_space<hbm>>
    tpu.enqueue_dma source(%dma_start3A_192 : memref<16384xf32, #tpu.memory_space<hbm>>) target(%dma_start3A_191 : memref<16384xf32, #tpu.memory_space<vmem>>) target_semaphore(%arg16 : memref<!tpu.dma_semaphore, #tpu.memory_space<semaphore_mem>>)
    %dma_wait3A_193 = arith.constant 0 : i32
    %dma_wait3A_194 = arith.constant 0 : i32
    %dma_wait3A_195 = tpu.memref_slice %arg9[%dma_wait3A_193, %dma_wait3A_194] : memref<2x16384xf32, #tpu.memory_space<vmem>> -> memref<1x16384xf32, #tpu.memory_space<vmem>>
    %dma_wait3A_196 = tpu.memref_squeeze %dma_wait3A_195 : memref<1x16384xf32, #tpu.memory_space<vmem>> -> memref<16384xf32, #tpu.memory_space<vmem>>
    %dma_wait3A_197 = tpu.memref_slice %arg4[%add3A_150] : memref<16777216xf32, #tpu.memory_space<hbm>> -> memref<16384xf32, #tpu.memory_space<hbm>>
    %dma_wait3A_198 = arith.constant 0 : i32
    %dma_wait3A_199 = tpu.memref_slice %arg9[%dma_wait3A_193, %dma_wait3A_198] : memref<2x16384xf32, #tpu.memory_space<vmem>> -> memref<1x16384xf32, #tpu.memory_space<vmem>>
    %dma_wait3A_200 = tpu.memref_squeeze %dma_wait3A_199 : memref<1x16384xf32, #tpu.memory_space<vmem>> -> memref<16384xf32, #tpu.memory_space<vmem>>
    %dma_wait3A_201 = tpu.memref_slice %arg4[%add3A_150] : memref<16777216xf32, #tpu.memory_space<hbm>> -> memref<16384xf32, #tpu.memory_space<hbm>>
    tpu.wait_dma2 semaphore(%arg13 : memref<!tpu.dma_semaphore, #tpu.memory_space<semaphore_mem>>) src(%dma_wait3A_201 : memref<16384xf32, #tpu.memory_space<hbm>>) dst(%dma_wait3A_200 : memref<16384xf32, #tpu.memory_space<vmem>>)
    %dma_wait3A_202 = arith.constant 0 : i32
    %dma_wait3A_203 = arith.constant 0 : i32
    %dma_wait3A_204 = tpu.memref_slice %arg10[%dma_wait3A_202, %dma_wait3A_203] : memref<2x16384xf32, #tpu.memory_space<vmem>> -> memref<1x16384xf32, #tpu.memory_space<vmem>>
    %dma_wait3A_205 = tpu.memref_squeeze %dma_wait3A_204 : memref<1x16384xf32, #tpu.memory_space<vmem>> -> memref<16384xf32, #tpu.memory_space<vmem>>
    %dma_wait3A_206 = tpu.memref_slice %arg5[%add3A_161] : memref<16777216xf32, #tpu.memory_space<hbm>> -> memref<16384xf32, #tpu.memory_space<hbm>>
    %dma_wait3A_207 = arith.constant 0 : i32
    %dma_wait3A_208 = tpu.memref_slice %arg10[%dma_wait3A_202, %dma_wait3A_207] : memref<2x16384xf32, #tpu.memory_space<vmem>> -> memref<1x16384xf32, #tpu.memory_space<vmem>>
    %dma_wait3A_209 = tpu.memref_squeeze %dma_wait3A_208 : memref<1x16384xf32, #tpu.memory_space<vmem>> -> memref<16384xf32, #tpu.memory_space<vmem>>
    %dma_wait3A_210 = tpu.memref_slice %arg5[%add3A_161] : memref<16777216xf32, #tpu.memory_space<hbm>> -> memref<16384xf32, #tpu.memory_space<hbm>>
    tpu.wait_dma2 semaphore(%arg15 : memref<!tpu.dma_semaphore, #tpu.memory_space<semaphore_mem>>) src(%dma_wait3A_210 : memref<16384xf32, #tpu.memory_space<hbm>>) dst(%dma_wait3A_209 : memref<16384xf32, #tpu.memory_space<vmem>>)
    %scan3A = arith.constant 0 : i32
    %scan3A_211 = arith.constant 0 : i32
    %scan3A_212 = arith.constant 128 : i32
    %scan3A_213 = arith.addi %scan3A_211, %scan3A_212 : i32
    %scan3A_214 = arith.constant 1 : i32
    %scan3A_215 = scf.for %scan3A_347 = %scan3A_211 to %scan3A_213 step %scan3A_214 iter_args(%scan3A_348 = %scan3A) -> (i32)  : i32 {
      %mul3A_349 = arith.constant 8 : i32
      %mul3A_350 = arith.muli %scan3A_347, %mul3A_349 : i32
      %add3A_351 = arith.constant 0 : i32
      %add3A_352 = arith.addi %mul3A_350, %add3A_351 : i32
      %mul3A_353 = arith.constant 16 : i32
      %mul3A_354 = arith.muli %add3A_352, %mul3A_353 : i32
      %get3A_355 = arith.constant 0 : i32
      %get3A_356 = arith.index_cast %get3A_355 : i32 to index
      %get3A_357 = arith.index_cast %mul3A_354 : i32 to index
      %get3A_358 = tpu.vector_load %arg9[%get3A_356, %get3A_357] {strides = array<i32>} : memref<2x16384xf32, #tpu.memory_space<vmem>>, vector<1x16xf32>,
      %get3A_359 = vector.shape_cast %get3A_358 : vector<1x16xf32> to vector<16xf32>
      %get3A_360 = arith.constant 0 : i32
      %get3A_361 = arith.index_cast %get3A_360 : i32 to index
      %get3A_362 = arith.index_cast %mul3A_354 : i32 to index
      %get3A_363 = tpu.vector_load %arg10[%get3A_361, %get3A_362] {strides = array<i32>} : memref<2x16384xf32, #tpu.memory_space<vmem>>, vector<1x16xf32>,
      %get3A_364 = vector.shape_cast %get3A_363 : vector<1x16xf32> to vector<16xf32>
      %mul3A_365 = arith.mulf %mul3A_85, %get3A_359 : vector<16xf32>
      %mul3A_366 = arith.mulf %mul3A_148, %get3A_364 : vector<16xf32>
      %add3A_367 = arith.addf %mul3A_365, %mul3A_366 : vector<16xf32>
      %swap3A = arith.constant 0 : i32
      %swap3A_368 = arith.index_cast %swap3A : i32 to index
      %swap3A_369 = arith.index_cast %mul3A_354 : i32 to index
      %swap3A_370 = tpu.vector_load %arg11[%swap3A_368, %swap3A_369] {strides = array<i32>} : memref<2x16384xf32, #tpu.memory_space<vmem>>, vector<1x16xf32>,
      %swap3A_371 = vector.shape_cast %swap3A_370 : vector<1x16xf32> to vector<16xf32>
      %swap3A_372 = vector.shape_cast %add3A_367 : vector<16xf32> to vector<1x16xf32>
      tpu.vector_store %arg11[%swap3A_368, %swap3A_369], %swap3A_372 {strides = array<i32>} : memref<2x16384xf32, #tpu.memory_space<vmem>>, vector<1x16xf32>,
      %mul3A_373 = arith.constant 8 : i32
      %mul3A_374 = arith.muli %scan3A_347, %mul3A_373 : i32
      %add3A_375 = arith.constant 1 : i32
      %add3A_376 = arith.addi %mul3A_374, %add3A_375 : i32
      %mul3A_377 = arith.constant 16 : i32
      %mul3A_378 = arith.muli %add3A_376, %mul3A_377 : i32
      %get3A_379 = arith.constant 0 : i32
      %get3A_380 = arith.index_cast %get3A_379 : i32 to index
      %get3A_381 = arith.index_cast %mul3A_378 : i32 to index
      %get3A_382 = tpu.vector_load %arg9[%get3A_380, %get3A_381] {strides = array<i32>} : memref<2x16384xf32, #tpu.memory_space<vmem>>, vector<1x16xf32>,
      %get3A_383 = vector.shape_cast %get3A_382 : vector<1x16xf32> to vector<16xf32>
      %get3A_384 = arith.constant 0 : i32
      %get3A_385 = arith.index_cast %get3A_384 : i32 to index
      %get3A_386 = arith.index_cast %mul3A_378 : i32 to index
      %get3A_387 = tpu.vector_load %arg10[%get3A_385, %get3A_386] {strides = array<i32>} : memref<2x16384xf32, #tpu.memory_space<vmem>>, vector<1x16xf32>,
      %get3A_388 = vector.shape_cast %get3A_387 : vector<1x16xf32> to vector<16xf32>
      %mul3A_389 = arith.mulf %mul3A_85, %get3A_383 : vector<16xf32>
      %mul3A_390 = arith.mulf %mul3A_148, %get3A_388 : vector<16xf32>
      %add3A_391 = arith.addf %mul3A_389, %mul3A_390 : vector<16xf32>
      %swap3A_392 = arith.constant 0 : i32
      %swap3A_393 = arith.index_cast %swap3A_392 : i32 to index
      %swap3A_394 = arith.index_cast %mul3A_378 : i32 to index
      %swap3A_395 = tpu.vector_load %arg11[%swap3A_393, %swap3A_394] {strides = array<i32>} : memref<2x16384xf32, #tpu.memory_space<vmem>>, vector<1x16xf32>,
      %swap3A_396 = vector.shape_cast %swap3A_395 : vector<1x16xf32> to vector<16xf32>
      %swap3A_397 = vector.shape_cast %add3A_391 : vector<16xf32> to vector<1x16xf32>
      tpu.vector_store %arg11[%swap3A_393, %swap3A_394], %swap3A_397 {strides = array<i32>} : memref<2x16384xf32, #tpu.memory_space<vmem>>, vector<1x16xf32>,
      %mul3A_398 = arith.constant 8 : i32
      %mul3A_399 = arith.muli %scan3A_347, %mul3A_398 : i32
      %add3A_400 = arith.constant 2 : i32
      %add3A_401 = arith.addi %mul3A_399, %add3A_400 : i32
      %mul3A_402 = arith.constant 16 : i32
      %mul3A_403 = arith.muli %add3A_401, %mul3A_402 : i32
      %get3A_404 = arith.constant 0 : i32
      %get3A_405 = arith.index_cast %get3A_404 : i32 to index
      %get3A_406 = arith.index_cast %mul3A_403 : i32 to index
      %get3A_407 = tpu.vector_load %arg9[%get3A_405, %get3A_406] {strides = array<i32>} : memref<2x16384xf32, #tpu.memory_space<vmem>>, vector<1x16xf32>,
      %get3A_408 = vector.shape_cast %get3A_407 : vector<1x16xf32> to vector<16xf32>
      %get3A_409 = arith.constant 0 : i32
      %get3A_410 = arith.index_cast %get3A_409 : i32 to index
      %get3A_411 = arith.index_cast %mul3A_403 : i32 to index
      %get3A_412 = tpu.vector_load %arg10[%get3A_410, %get3A_411] {strides = array<i32>} : memref<2x16384xf32, #tpu.memory_space<vmem>>, vector<1x16xf32>,
      %get3A_413 = vector.shape_cast %get3A_412 : vector<1x16xf32> to vector<16xf32>
      %mul3A_414 = arith.mulf %mul3A_85, %get3A_408 : vector<16xf32>
      %mul3A_415 = arith.mulf %mul3A_148, %get3A_413 : vector<16xf32>
      %add3A_416 = arith.addf %mul3A_414, %mul3A_415 : vector<16xf32>
      %swap3A_417 = arith.constant 0 : i32
      %swap3A_418 = arith.index_cast %swap3A_417 : i32 to index
      %swap3A_419 = arith.index_cast %mul3A_403 : i32 to index
      %swap3A_420 = tpu.vector_load %arg11[%swap3A_418, %swap3A_419] {strides = array<i32>} : memref<2x16384xf32, #tpu.memory_space<vmem>>, vector<1x16xf32>,
      %swap3A_421 = vector.shape_cast %swap3A_420 : vector<1x16xf32> to vector<16xf32>
      %swap3A_422 = vector.shape_cast %add3A_416 : vector<16xf32> to vector<1x16xf32>
      tpu.vector_store %arg11[%swap3A_418, %swap3A_419], %swap3A_422 {strides = array<i32>} : memref<2x16384xf32, #tpu.memory_space<vmem>>, vector<1x16xf32>,
      %mul3A_423 = arith.constant 8 : i32
      %mul3A_424 = arith.muli %scan3A_347, %mul3A_423 : i32
      %add3A_425 = arith.constant 3 : i32
      %add3A_426 = arith.addi %mul3A_424, %add3A_425 : i32
      %mul3A_427 = arith.constant 16 : i32
      %mul3A_428 = arith.muli %add3A_426, %mul3A_427 : i32
      %get3A_429 = arith.constant 0 : i32
      %get3A_430 = arith.index_cast %get3A_429 : i32 to index
      %get3A_431 = arith.index_cast %mul3A_428 : i32 to index
      %get3A_432 = tpu.vector_load %arg9[%get3A_430, %get3A_431] {strides = array<i32>} : memref<2x16384xf32, #tpu.memory_space<vmem>>, vector<1x16xf32>,
      %get3A_433 = vector.shape_cast %get3A_432 : vector<1x16xf32> to vector<16xf32>
      %get3A_434 = arith.constant 0 : i32
      %get3A_435 = arith.index_cast %get3A_434 : i32 to index
      %get3A_436 = arith.index_cast %mul3A_428 : i32 to index
      %get3A_437 = tpu.vector_load %arg10[%get3A_435, %get3A_436] {strides = array<i32>} : memref<2x16384xf32, #tpu.memory_space<vmem>>, vector<1x16xf32>,
      %get3A_438 = vector.shape_cast %get3A_437 : vector<1x16xf32> to vector<16xf32>
      %mul3A_439 = arith.mulf %mul3A_85, %get3A_433 : vector<16xf32>
      %mul3A_440 = arith.mulf %mul3A_148, %get3A_438 : vector<16xf32>
      %add3A_441 = arith.addf %mul3A_439, %mul3A_440 : vector<16xf32>
      %swap3A_442 = arith.constant 0 : i32
      %swap3A_443 = arith.index_cast %swap3A_442 : i32 to index
      %swap3A_444 = arith.index_cast %mul3A_428 : i32 to index
      %swap3A_445 = tpu.vector_load %arg11[%swap3A_443, %swap3A_444] {strides = array<i32>} : memref<2x16384xf32, #tpu.memory_space<vmem>>, vector<1x16xf32>,
      %swap3A_446 = vector.shape_cast %swap3A_445 : vector<1x16xf32> to vector<16xf32>
      %swap3A_447 = vector.shape_cast %add3A_441 : vector<16xf32> to vector<1x16xf32>
      tpu.vector_store %arg11[%swap3A_443, %swap3A_444], %swap3A_447 {strides = array<i32>} : memref<2x16384xf32, #tpu.memory_space<vmem>>, vector<1x16xf32>,
      %mul3A_448 = arith.constant 8 : i32
      %mul3A_449 = arith.muli %scan3A_347, %mul3A_448 : i32
      %add3A_450 = arith.constant 4 : i32
      %add3A_451 = arith.addi %mul3A_449, %add3A_450 : i32
      %mul3A_452 = arith.constant 16 : i32
      %mul3A_453 = arith.muli %add3A_451, %mul3A_452 : i32
      %get3A_454 = arith.constant 0 : i32
      %get3A_455 = arith.index_cast %get3A_454 : i32 to index
      %get3A_456 = arith.index_cast %mul3A_453 : i32 to index
      %get3A_457 = tpu.vector_load %arg9[%get3A_455, %get3A_456] {strides = array<i32>} : memref<2x16384xf32, #tpu.memory_space<vmem>>, vector<1x16xf32>,
      %get3A_458 = vector.shape_cast %get3A_457 : vector<1x16xf32> to vector<16xf32>
      %get3A_459 = arith.constant 0 : i32
      %get3A_460 = arith.index_cast %get3A_459 : i32 to index
      %get3A_461 = arith.index_cast %mul3A_453 : i32 to index
      %get3A_462 = tpu.vector_load %arg10[%get3A_460, %get3A_461] {strides = array<i32>} : memref<2x16384xf32, #tpu.memory_space<vmem>>, vector<1x16xf32>,
      %get3A_463 = vector.shape_cast %get3A_462 : vector<1x16xf32> to vector<16xf32>
      %mul3A_464 = arith.mulf %mul3A_85, %get3A_458 : vector<16xf32>
      %mul3A_465 = arith.mulf %mul3A_148, %get3A_463 : vector<16xf32>
      %add3A_466 = arith.addf %mul3A_464, %mul3A_465 : vector<16xf32>
      %swap3A_467 = arith.constant 0 : i32
      %swap3A_468 = arith.index_cast %swap3A_467 : i32 to index
      %swap3A_469 = arith.index_cast %mul3A_453 : i32 to index
      %swap3A_470 = tpu.vector_load %arg11[%swap3A_468, %swap3A_469] {strides = array<i32>} : memref<2x16384xf32, #tpu.memory_space<vmem>>, vector<1x16xf32>,
      %swap3A_471 = vector.shape_cast %swap3A_470 : vector<1x16xf32> to vector<16xf32>
      %swap3A_472 = vector.shape_cast %add3A_466 : vector<16xf32> to vector<1x16xf32>
      tpu.vector_store %arg11[%swap3A_468, %swap3A_469], %swap3A_472 {strides = array<i32>} : memref<2x16384xf32, #tpu.memory_space<vmem>>, vector<1x16xf32>,
      %mul3A_473 = arith.constant 8 : i32
      %mul3A_474 = arith.muli %scan3A_347, %mul3A_473 : i32
      %add3A_475 = arith.constant 5 : i32
      %add3A_476 = arith.addi %mul3A_474, %add3A_475 : i32
      %mul3A_477 = arith.constant 16 : i32
      %mul3A_478 = arith.muli %add3A_476, %mul3A_477 : i32
      %get3A_479 = arith.constant 0 : i32
      %get3A_480 = arith.index_cast %get3A_479 : i32 to index
      %get3A_481 = arith.index_cast %mul3A_478 : i32 to index
      %get3A_482 = tpu.vector_load %arg9[%get3A_480, %get3A_481] {strides = array<i32>} : memref<2x16384xf32, #tpu.memory_space<vmem>>, vector<1x16xf32>,
      %get3A_483 = vector.shape_cast %get3A_482 : vector<1x16xf32> to vector<16xf32>
      %get3A_484 = arith.constant 0 : i32
      %get3A_485 = arith.index_cast %get3A_484 : i32 to index
      %get3A_486 = arith.index_cast %mul3A_478 : i32 to index
      %get3A_487 = tpu.vector_load %arg10[%get3A_485, %get3A_486] {strides = array<i32>} : memref<2x16384xf32, #tpu.memory_space<vmem>>, vector<1x16xf32>,
      %get3A_488 = vector.shape_cast %get3A_487 : vector<1x16xf32> to vector<16xf32>
      %mul3A_489 = arith.mulf %mul3A_85, %get3A_483 : vector<16xf32>
      %mul3A_490 = arith.mulf %mul3A_148, %get3A_488 : vector<16xf32>
      %add3A_491 = arith.addf %mul3A_489, %mul3A_490 : vector<16xf32>
      %swap3A_492 = arith.constant 0 : i32
      %swap3A_493 = arith.index_cast %swap3A_492 : i32 to index
      %swap3A_494 = arith.index_cast %mul3A_478 : i32 to index
      %swap3A_495 = tpu.vector_load %arg11[%swap3A_493, %swap3A_494] {strides = array<i32>} : memref<2x16384xf32, #tpu.memory_space<vmem>>, vector<1x16xf32>,
      %swap3A_496 = vector.shape_cast %swap3A_495 : vector<1x16xf32> to vector<16xf32>
      %swap3A_497 = vector.shape_cast %add3A_491 : vector<16xf32> to vector<1x16xf32>
      tpu.vector_store %arg11[%swap3A_493, %swap3A_494], %swap3A_497 {strides = array<i32>} : memref<2x16384xf32, #tpu.memory_space<vmem>>, vector<1x16xf32>,
      %mul3A_498 = arith.constant 8 : i32
      %mul3A_499 = arith.muli %scan3A_347, %mul3A_498 : i32
      %add3A_500 = arith.constant 6 : i32
      %add3A_501 = arith.addi %mul3A_499, %add3A_500 : i32
      %mul3A_502 = arith.constant 16 : i32
      %mul3A_503 = arith.muli %add3A_501, %mul3A_502 : i32
      %get3A_504 = arith.constant 0 : i32
      %get3A_505 = arith.index_cast %get3A_504 : i32 to index
      %get3A_506 = arith.index_cast %mul3A_503 : i32 to index
      %get3A_507 = tpu.vector_load %arg9[%get3A_505, %get3A_506] {strides = array<i32>} : memref<2x16384xf32, #tpu.memory_space<vmem>>, vector<1x16xf32>,
      %get3A_508 = vector.shape_cast %get3A_507 : vector<1x16xf32> to vector<16xf32>
      %get3A_509 = arith.constant 0 : i32
      %get3A_510 = arith.index_cast %get3A_509 : i32 to index
      %get3A_511 = arith.index_cast %mul3A_503 : i32 to index
      %get3A_512 = tpu.vector_load %arg10[%get3A_510, %get3A_511] {strides = array<i32>} : memref<2x16384xf32, #tpu.memory_space<vmem>>, vector<1x16xf32>,
      %get3A_513 = vector.shape_cast %get3A_512 : vector<1x16xf32> to vector<16xf32>
      %mul3A_514 = arith.mulf %mul3A_85, %get3A_508 : vector<16xf32>
      %mul3A_515 = arith.mulf %mul3A_148, %get3A_513 : vector<16xf32>
      %add3A_516 = arith.addf %mul3A_514, %mul3A_515 : vector<16xf32>
      %swap3A_517 = arith.constant 0 : i32
      %swap3A_518 = arith.index_cast %swap3A_517 : i32 to index
      %swap3A_519 = arith.index_cast %mul3A_503 : i32 to index
      %swap3A_520 = tpu.vector_load %arg11[%swap3A_518, %swap3A_519] {strides = array<i32>} : memref<2x16384xf32, #tpu.memory_space<vmem>>, vector<1x16xf32>,
      %swap3A_521 = vector.shape_cast %swap3A_520 : vector<1x16xf32> to vector<16xf32>
      %swap3A_522 = vector.shape_cast %add3A_516 : vector<16xf32> to vector<1x16xf32>
      tpu.vector_store %arg11[%swap3A_518, %swap3A_519], %swap3A_522 {strides = array<i32>} : memref<2x16384xf32, #tpu.memory_space<vmem>>, vector<1x16xf32>,
      %mul3A_523 = arith.constant 8 : i32
      %mul3A_524 = arith.muli %scan3A_347, %mul3A_523 : i32
      %add3A_525 = arith.constant 7 : i32
      %add3A_526 = arith.addi %mul3A_524, %add3A_525 : i32
      %mul3A_527 = arith.constant 16 : i32
      %mul3A_528 = arith.muli %add3A_526, %mul3A_527 : i32
      %get3A_529 = arith.constant 0 : i32
      %get3A_530 = arith.index_cast %get3A_529 : i32 to index
      %get3A_531 = arith.index_cast %mul3A_528 : i32 to index
      %get3A_532 = tpu.vector_load %arg9[%get3A_530, %get3A_531] {strides = array<i32>} : memref<2x16384xf32, #tpu.memory_space<vmem>>, vector<1x16xf32>,
      %get3A_533 = vector.shape_cast %get3A_532 : vector<1x16xf32> to vector<16xf32>
      %get3A_534 = arith.constant 0 : i32
      %get3A_535 = arith.index_cast %get3A_534 : i32 to index
      %get3A_536 = arith.index_cast %mul3A_528 : i32 to index
      %get3A_537 = tpu.vector_load %arg10[%get3A_535, %get3A_536] {strides = array<i32>} : memref<2x16384xf32, #tpu.memory_space<vmem>>, vector<1x16xf32>,
      %get3A_538 = vector.shape_cast %get3A_537 : vector<1x16xf32> to vector<16xf32>
      %mul3A_539 = arith.mulf %mul3A_85, %get3A_533 : vector<16xf32>
      %mul3A_540 = arith.mulf %mul3A_148, %get3A_538 : vector<16xf32>
      %add3A_541 = arith.addf %mul3A_539, %mul3A_540 : vector<16xf32>
      %swap3A_542 = arith.constant 0 : i32
      %swap3A_543 = arith.index_cast %swap3A_542 : i32 to index
      %swap3A_544 = arith.index_cast %mul3A_528 : i32 to index
      %swap3A_545 = tpu.vector_load %arg11[%swap3A_543, %swap3A_544] {strides = array<i32>} : memref<2x16384xf32, #tpu.memory_space<vmem>>, vector<1x16xf32>,
      %swap3A_546 = vector.shape_cast %swap3A_545 : vector<1x16xf32> to vector<16xf32>
      %swap3A_547 = vector.shape_cast %add3A_541 : vector<16xf32> to vector<1x16xf32>
      tpu.vector_store %arg11[%swap3A_543, %swap3A_544], %swap3A_547 {strides = array<i32>} : memref<2x16384xf32, #tpu.memory_space<vmem>>, vector<1x16xf32>,
      %scan3A_548 = arith.constant 0 : i32
      scf.yield %scan3A_548 : i32
    }
    %scan3A_216 = arith.constant 128 : i32
    %add3A_217 = arith.constant 0 : i32
    %add3A_218 = arith.addi %mul3A_18, %add3A_217 : i32
    %run_scoped3A = arith.constant 0 : i32
    "tpu.region"() ({
      %run_scoped3A_347 = tpu.sem_alloc : memref<!tpu.dma_semaphore, #tpu.memory_space<semaphore_mem>>
      %dma_start3A_348 = arith.constant 0 : i32
      %dma_start3A_349 = tpu.memref_slice %arg11[%run_scoped3A, %dma_start3A_348] : memref<2x16384xf32, #tpu.memory_space<vmem>> -> memref<1x16384xf32, #tpu.memory_space<vmem>>
      %dma_start3A_350 = tpu.memref_squeeze %dma_start3A_349 : memref<1x16384xf32, #tpu.memory_space<vmem>> -> memref<16384xf32, #tpu.memory_space<vmem>>
      %dma_start3A_351 = tpu.memref_slice %arg6[%add3A_218] : memref<2097152xf32, #tpu.memory_space<hbm>> -> memref<16384xf32, #tpu.memory_space<hbm>>
      %dma_start3A_352 = tpu.memref_slice %arg6[%add3A_218] : memref<2097152xf32, #tpu.memory_space<hbm>> -> memref<16384xf32, #tpu.memory_space<hbm>>
      %dma_start3A_353 = arith.constant 0 : i32
      %dma_start3A_354 = tpu.memref_slice %arg11[%run_scoped3A, %dma_start3A_353] : memref<2x16384xf32, #tpu.memory_space<vmem>> -> memref<1x16384xf32, #tpu.memory_space<vmem>>
      %dma_start3A_355 = tpu.memref_squeeze %dma_start3A_354 : memref<1x16384xf32, #tpu.memory_space<vmem>> -> memref<16384xf32, #tpu.memory_space<vmem>>
      tpu.enqueue_dma source(%dma_start3A_355 : memref<16384xf32, #tpu.memory_space<vmem>>) target(%dma_start3A_352 : memref<16384xf32, #tpu.memory_space<hbm>>) target_semaphore(%run_scoped3A_347 : memref<!tpu.dma_semaphore, #tpu.memory_space<semaphore_mem>>)
      %dma_wait3A_356 = arith.constant 0 : i32
      %dma_wait3A_357 = tpu.memref_slice %arg11[%run_scoped3A, %dma_wait3A_356] : memref<2x16384xf32, #tpu.memory_space<vmem>> -> memref<1x16384xf32, #tpu.memory_space<vmem>>
      %dma_wait3A_358 = tpu.memref_squeeze %dma_wait3A_357 : memref<1x16384xf32, #tpu.memory_space<vmem>> -> memref<16384xf32, #tpu.memory_space<vmem>>
      %dma_wait3A_359 = tpu.memref_slice %arg6[%add3A_218] : memref<2097152xf32, #tpu.memory_space<hbm>> -> memref<16384xf32, #tpu.memory_space<hbm>>
      %dma_wait3A_360 = tpu.memref_slice %arg6[%add3A_218] : memref<2097152xf32, #tpu.memory_space<hbm>> -> memref<16384xf32, #tpu.memory_space<hbm>>
      %dma_wait3A_361 = arith.constant 0 : i32
      %dma_wait3A_362 = tpu.memref_slice %arg11[%run_scoped3A, %dma_wait3A_361] : memref<2x16384xf32, #tpu.memory_space<vmem>> -> memref<1x16384xf32, #tpu.memory_space<vmem>>
      %dma_wait3A_363 = tpu.memref_squeeze %dma_wait3A_362 : memref<1x16384xf32, #tpu.memory_space<vmem>> -> memref<16384xf32, #tpu.memory_space<vmem>>
      tpu.wait_dma2 semaphore(%run_scoped3A_347 : memref<!tpu.dma_semaphore, #tpu.memory_space<semaphore_mem>>) src(%dma_wait3A_363 : memref<16384xf32, #tpu.memory_space<vmem>>) dst(%dma_wait3A_360 : memref<16384xf32, #tpu.memory_space<hbm>>)
      tpu.yield
    }) : () -> ()
    %add3A_219 = arith.constant 32768 : i32
    %add3A_220 = arith.addi %mul3A_18, %add3A_219 : i32
    %dma_start3A_221 = arith.constant 0 : i32
    %dma_start3A_222 = arith.constant 0 : i32
    %dma_start3A_223 = tpu.memref_slice %arg9[%dma_start3A_221, %dma_start3A_222] : memref<2x16384xf32, #tpu.memory_space<vmem>> -> memref<1x16384xf32, #tpu.memory_space<vmem>>
    %dma_start3A_224 = tpu.memref_squeeze %dma_start3A_223 : memref<1x16384xf32, #tpu.memory_space<vmem>> -> memref<16384xf32, #tpu.memory_space<vmem>>
    %dma_start3A_225 = tpu.memref_slice %arg4[%add3A_220] : memref<16777216xf32, #tpu.memory_space<hbm>> -> memref<16384xf32, #tpu.memory_space<hbm>>
    %dma_start3A_226 = arith.constant 0 : i32
    %dma_start3A_227 = tpu.memref_slice %arg9[%dma_start3A_221, %dma_start3A_226] : memref<2x16384xf32, #tpu.memory_space<vmem>> -> memref<1x16384xf32, #tpu.memory_space<vmem>>
    %dma_start3A_228 = tpu.memref_squeeze %dma_start3A_227 : memref<1x16384xf32, #tpu.memory_space<vmem>> -> memref<16384xf32, #tpu.memory_space<vmem>>
    %dma_start3A_229 = tpu.memref_slice %arg4[%add3A_220] : memref<16777216xf32, #tpu.memory_space<hbm>> -> memref<16384xf32, #tpu.memory_space<hbm>>
    tpu.enqueue_dma source(%dma_start3A_229 : memref<16384xf32, #tpu.memory_space<hbm>>) target(%dma_start3A_228 : memref<16384xf32, #tpu.memory_space<vmem>>) target_semaphore(%arg13 : memref<!tpu.dma_semaphore, #tpu.memory_space<semaphore_mem>>)
    %add3A_230 = arith.constant 32768 : i32
    %add3A_231 = arith.addi %mul3A_18, %add3A_230 : i32
    %dma_start3A_232 = arith.constant 0 : i32
    %dma_start3A_233 = arith.constant 0 : i32
    %dma_start3A_234 = tpu.memref_slice %arg10[%dma_start3A_232, %dma_start3A_233] : memref<2x16384xf32, #tpu.memory_space<vmem>> -> memref<1x16384xf32, #tpu.memory_space<vmem>>
    %dma_start3A_235 = tpu.memref_squeeze %dma_start3A_234 : memref<1x16384xf32, #tpu.memory_space<vmem>> -> memref<16384xf32, #tpu.memory_space<vmem>>
    %dma_start3A_236 = tpu.memref_slice %arg5[%add3A_231] : memref<16777216xf32, #tpu.memory_space<hbm>> -> memref<16384xf32, #tpu.memory_space<hbm>>
    %dma_start3A_237 = arith.constant 0 : i32
    %dma_start3A_238 = tpu.memref_slice %arg10[%dma_start3A_232, %dma_start3A_237] : memref<2x16384xf32, #tpu.memory_space<vmem>> -> memref<1x16384xf32, #tpu.memory_space<vmem>>
    %dma_start3A_239 = tpu.memref_squeeze %dma_start3A_238 : memref<1x16384xf32, #tpu.memory_space<vmem>> -> memref<16384xf32, #tpu.memory_space<vmem>>
    %dma_start3A_240 = tpu.memref_slice %arg5[%add3A_231] : memref<16777216xf32, #tpu.memory_space<hbm>> -> memref<16384xf32, #tpu.memory_space<hbm>>
    tpu.enqueue_dma source(%dma_start3A_240 : memref<16384xf32, #tpu.memory_space<hbm>>) target(%dma_start3A_239 : memref<16384xf32, #tpu.memory_space<vmem>>) target_semaphore(%arg15 : memref<!tpu.dma_semaphore, #tpu.memory_space<semaphore_mem>>)
    %dma_wait3A_241 = arith.constant 1 : i32
    %dma_wait3A_242 = arith.constant 0 : i32
    %dma_wait3A_243 = tpu.memref_slice %arg9[%dma_wait3A_241, %dma_wait3A_242] : memref<2x16384xf32, #tpu.memory_space<vmem>> -> memref<1x16384xf32, #tpu.memory_space<vmem>>
    %dma_wait3A_244 = tpu.memref_squeeze %dma_wait3A_243 : memref<1x16384xf32, #tpu.memory_space<vmem>> -> memref<16384xf32, #tpu.memory_space<vmem>>
    %dma_wait3A_245 = tpu.memref_slice %arg4[%add3A_172] : memref<16777216xf32, #tpu.memory_space<hbm>> -> memref<16384xf32, #tpu.memory_space<hbm>>
    %dma_wait3A_246 = arith.constant 0 : i32
    %dma_wait3A_247 = tpu.memref_slice %arg9[%dma_wait3A_241, %dma_wait3A_246] : memref<2x16384xf32, #tpu.memory_space<vmem>> -> memref<1x16384xf32, #tpu.memory_space<vmem>>
    %dma_wait3A_248 = tpu.memref_squeeze %dma_wait3A_247 : memref<1x16384xf32, #tpu.memory_space<vmem>> -> memref<16384xf32, #tpu.memory_space<vmem>>
    %dma_wait3A_249 = tpu.memref_slice %arg4[%add3A_172] : memref<16777216xf32, #tpu.memory_space<hbm>> -> memref<16384xf32, #tpu.memory_space<hbm>>
    tpu.wait_dma2 semaphore(%arg14 : memref<!tpu.dma_semaphore, #tpu.memory_space<semaphore_mem>>) src(%dma_wait3A_249 : memref<16384xf32, #tpu.memory_space<hbm>>) dst(%dma_wait3A_248 : memref<16384xf32, #tpu.memory_space<vmem>>)
    %dma_wait3A_250 = arith.constant 1 : i32
    %dma_wait3A_251 = arith.constant 0 : i32
    %dma_wait3A_252 = tpu.memref_slice %arg10[%dma_wait3A_250, %dma_wait3A_251] : memref<2x16384xf32, #tpu.memory_space<vmem>> -> memref<1x16384xf32, #tpu.memory_space<vmem>>
    %dma_wait3A_253 = tpu.memref_squeeze %dma_wait3A_252 : memref<1x16384xf32, #tpu.memory_space<vmem>> -> memref<16384xf32, #tpu.memory_space<vmem>>
    %dma_wait3A_254 = tpu.memref_slice %arg5[%add3A_183] : memref<16777216xf32, #tpu.memory_space<hbm>> -> memref<16384xf32, #tpu.memory_space<hbm>>
    %dma_wait3A_255 = arith.constant 0 : i32
    %dma_wait3A_256 = tpu.memref_slice %arg10[%dma_wait3A_250, %dma_wait3A_255] : memref<2x16384xf32, #tpu.memory_space<vmem>> -> memref<1x16384xf32, #tpu.memory_space<vmem>>
    %dma_wait3A_257 = tpu.memref_squeeze %dma_wait3A_256 : memref<1x16384xf32, #tpu.memory_space<vmem>> -> memref<16384xf32, #tpu.memory_space<vmem>>
    %dma_wait3A_258 = tpu.memref_slice %arg5[%add3A_183] : memref<16777216xf32, #tpu.memory_space<hbm>> -> memref<16384xf32, #tpu.memory_space<hbm>>
    tpu.wait_dma2 semaphore(%arg16 : memref<!tpu.dma_semaphore, #tpu.memory_space<semaphore_mem>>) src(%dma_wait3A_258 : memref<16384xf32, #tpu.memory_space<hbm>>) dst(%dma_wait3A_257 : memref<16384xf32, #tpu.memory_space<vmem>>)
    %scan3A_259 = arith.constant 0 : i32
    %scan3A_260 = arith.constant 0 : i32
    %scan3A_261 = arith.constant 128 : i32
    %scan3A_262 = arith.addi %scan3A_260, %scan3A_261 : i32
    %scan3A_263 = arith.constant 1 : i32
    %scan3A_264 = scf.for %scan3A_347 = %scan3A_260 to %scan3A_262 step %scan3A_263 iter_args(%scan3A_348 = %scan3A_259) -> (i32)  : i32 {
      %mul3A_349 = arith.constant 8 : i32
      %mul3A_350 = arith.muli %scan3A_347, %mul3A_349 : i32
      %add3A_351 = arith.constant 0 : i32
      %add3A_352 = arith.addi %mul3A_350, %add3A_351 : i32
      %mul3A_353 = arith.constant 16 : i32
      %mul3A_354 = arith.muli %add3A_352, %mul3A_353 : i32
      %get3A_355 = arith.constant 1 : i32
      %get3A_356 = arith.index_cast %get3A_355 : i32 to index
      %get3A_357 = arith.index_cast %mul3A_354 : i32 to index
      %get3A_358 = tpu.vector_load %arg9[%get3A_356, %get3A_357] {strides = array<i32>} : memref<2x16384xf32, #tpu.memory_space<vmem>>, vector<1x16xf32>,
      %get3A_359 = vector.shape_cast %get3A_358 : vector<1x16xf32> to vector<16xf32>
      %get3A_360 = arith.constant 1 : i32
      %get3A_361 = arith.index_cast %get3A_360 : i32 to index
      %get3A_362 = arith.index_cast %mul3A_354 : i32 to index
      %get3A_363 = tpu.vector_load %arg10[%get3A_361, %get3A_362] {strides = array<i32>} : memref<2x16384xf32, #tpu.memory_space<vmem>>, vector<1x16xf32>,
      %get3A_364 = vector.shape_cast %get3A_363 : vector<1x16xf32> to vector<16xf32>
      %mul3A_365 = arith.mulf %mul3A_85, %get3A_359 : vector<16xf32>
      %mul3A_366 = arith.mulf %mul3A_148, %get3A_364 : vector<16xf32>
      %add3A_367 = arith.addf %mul3A_365, %mul3A_366 : vector<16xf32>
      %swap3A = arith.constant 1 : i32
      %swap3A_368 = arith.index_cast %swap3A : i32 to index
      %swap3A_369 = arith.index_cast %mul3A_354 : i32 to index
      %swap3A_370 = tpu.vector_load %arg11[%swap3A_368, %swap3A_369] {strides = array<i32>} : memref<2x16384xf32, #tpu.memory_space<vmem>>, vector<1x16xf32>,
      %swap3A_371 = vector.shape_cast %swap3A_370 : vector<1x16xf32> to vector<16xf32>
      %swap3A_372 = vector.shape_cast %add3A_367 : vector<16xf32> to vector<1x16xf32>
      tpu.vector_store %arg11[%swap3A_368, %swap3A_369], %swap3A_372 {strides = array<i32>} : memref<2x16384xf32, #tpu.memory_space<vmem>>, vector<1x16xf32>,
      %mul3A_373 = arith.constant 8 : i32
      %mul3A_374 = arith.muli %scan3A_347, %mul3A_373 : i32
      %add3A_375 = arith.constant 1 : i32
      %add3A_376 = arith.addi %mul3A_374, %add3A_375 : i32
      %mul3A_377 = arith.constant 16 : i32
      %mul3A_378 = arith.muli %add3A_376, %mul3A_377 : i32
      %get3A_379 = arith.constant 1 : i32
      %get3A_380 = arith.index_cast %get3A_379 : i32 to index
      %get3A_381 = arith.index_cast %mul3A_378 : i32 to index
      %get3A_382 = tpu.vector_load %arg9[%get3A_380, %get3A_381] {strides = array<i32>} : memref<2x16384xf32, #tpu.memory_space<vmem>>, vector<1x16xf32>,
      %get3A_383 = vector.shape_cast %get3A_382 : vector<1x16xf32> to vector<16xf32>
      %get3A_384 = arith.constant 1 : i32
      %get3A_385 = arith.index_cast %get3A_384 : i32 to index
      %get3A_386 = arith.index_cast %mul3A_378 : i32 to index
      %get3A_387 = tpu.vector_load %arg10[%get3A_385, %get3A_386] {strides = array<i32>} : memref<2x16384xf32, #tpu.memory_space<vmem>>, vector<1x16xf32>,
      %get3A_388 = vector.shape_cast %get3A_387 : vector<1x16xf32> to vector<16xf32>
      %mul3A_389 = arith.mulf %mul3A_85, %get3A_383 : vector<16xf32>
      %mul3A_390 = arith.mulf %mul3A_148, %get3A_388 : vector<16xf32>
      %add3A_391 = arith.addf %mul3A_389, %mul3A_390 : vector<16xf32>
      %swap3A_392 = arith.constant 1 : i32
      %swap3A_393 = arith.index_cast %swap3A_392 : i32 to index
      %swap3A_394 = arith.index_cast %mul3A_378 : i32 to index
      %swap3A_395 = tpu.vector_load %arg11[%swap3A_393, %swap3A_394] {strides = array<i32>} : memref<2x16384xf32, #tpu.memory_space<vmem>>, vector<1x16xf32>,
      %swap3A_396 = vector.shape_cast %swap3A_395 : vector<1x16xf32> to vector<16xf32>
      %swap3A_397 = vector.shape_cast %add3A_391 : vector<16xf32> to vector<1x16xf32>
      tpu.vector_store %arg11[%swap3A_393, %swap3A_394], %swap3A_397 {strides = array<i32>} : memref<2x16384xf32, #tpu.memory_space<vmem>>, vector<1x16xf32>,
      %mul3A_398 = arith.constant 8 : i32
      %mul3A_399 = arith.muli %scan3A_347, %mul3A_398 : i32
      %add3A_400 = arith.constant 2 : i32
      %add3A_401 = arith.addi %mul3A_399, %add3A_400 : i32
      %mul3A_402 = arith.constant 16 : i32
      %mul3A_403 = arith.muli %add3A_401, %mul3A_402 : i32
      %get3A_404 = arith.constant 1 : i32
      %get3A_405 = arith.index_cast %get3A_404 : i32 to index
      %get3A_406 = arith.index_cast %mul3A_403 : i32 to index
      %get3A_407 = tpu.vector_load %arg9[%get3A_405, %get3A_406] {strides = array<i32>} : memref<2x16384xf32, #tpu.memory_space<vmem>>, vector<1x16xf32>,
      %get3A_408 = vector.shape_cast %get3A_407 : vector<1x16xf32> to vector<16xf32>
      %get3A_409 = arith.constant 1 : i32
      %get3A_410 = arith.index_cast %get3A_409 : i32 to index
      %get3A_411 = arith.index_cast %mul3A_403 : i32 to index
      %get3A_412 = tpu.vector_load %arg10[%get3A_410, %get3A_411] {strides = array<i32>} : memref<2x16384xf32, #tpu.memory_space<vmem>>, vector<1x16xf32>,
      %get3A_413 = vector.shape_cast %get3A_412 : vector<1x16xf32> to vector<16xf32>
      %mul3A_414 = arith.mulf %mul3A_85, %get3A_408 : vector<16xf32>
      %mul3A_415 = arith.mulf %mul3A_148, %get3A_413 : vector<16xf32>
      %add3A_416 = arith.addf %mul3A_414, %mul3A_415 : vector<16xf32>
      %swap3A_417 = arith.constant 1 : i32
      %swap3A_418 = arith.index_cast %swap3A_417 : i32 to index
      %swap3A_419 = arith.index_cast %mul3A_403 : i32 to index
      %swap3A_420 = tpu.vector_load %arg11[%swap3A_418, %swap3A_419] {strides = array<i32>} : memref<2x16384xf32, #tpu.memory_space<vmem>>, vector<1x16xf32>,
      %swap3A_421 = vector.shape_cast %swap3A_420 : vector<1x16xf32> to vector<16xf32>
      %swap3A_422 = vector.shape_cast %add3A_416 : vector<16xf32> to vector<1x16xf32>
      tpu.vector_store %arg11[%swap3A_418, %swap3A_419], %swap3A_422 {strides = array<i32>} : memref<2x16384xf32, #tpu.memory_space<vmem>>, vector<1x16xf32>,
      %mul3A_423 = arith.constant 8 : i32
      %mul3A_424 = arith.muli %scan3A_347, %mul3A_423 : i32
      %add3A_425 = arith.constant 3 : i32
      %add3A_426 = arith.addi %mul3A_424, %add3A_425 : i32
      %mul3A_427 = arith.constant 16 : i32
      %mul3A_428 = arith.muli %add3A_426, %mul3A_427 : i32
      %get3A_429 = arith.constant 1 : i32
      %get3A_430 = arith.index_cast %get3A_429 : i32 to index
      %get3A_431 = arith.index_cast %mul3A_428 : i32 to index
      %get3A_432 = tpu.vector_load %arg9[%get3A_430, %get3A_431] {strides = array<i32>} : memref<2x16384xf32, #tpu.memory_space<vmem>>, vector<1x16xf32>,
      %get3A_433 = vector.shape_cast %get3A_432 : vector<1x16xf32> to vector<16xf32>
      %get3A_434 = arith.constant 1 : i32
      %get3A_435 = arith.index_cast %get3A_434 : i32 to index
      %get3A_436 = arith.index_cast %mul3A_428 : i32 to index
      %get3A_437 = tpu.vector_load %arg10[%get3A_435, %get3A_436] {strides = array<i32>} : memref<2x16384xf32, #tpu.memory_space<vmem>>, vector<1x16xf32>,
      %get3A_438 = vector.shape_cast %get3A_437 : vector<1x16xf32> to vector<16xf32>
      %mul3A_439 = arith.mulf %mul3A_85, %get3A_433 : vector<16xf32>
      %mul3A_440 = arith.mulf %mul3A_148, %get3A_438 : vector<16xf32>
      %add3A_441 = arith.addf %mul3A_439, %mul3A_440 : vector<16xf32>
      %swap3A_442 = arith.constant 1 : i32
      %swap3A_443 = arith.index_cast %swap3A_442 : i32 to index
      %swap3A_444 = arith.index_cast %mul3A_428 : i32 to index
      %swap3A_445 = tpu.vector_load %arg11[%swap3A_443, %swap3A_444] {strides = array<i32>} : memref<2x16384xf32, #tpu.memory_space<vmem>>, vector<1x16xf32>,
      %swap3A_446 = vector.shape_cast %swap3A_445 : vector<1x16xf32> to vector<16xf32>
      %swap3A_447 = vector.shape_cast %add3A_441 : vector<16xf32> to vector<1x16xf32>
      tpu.vector_store %arg11[%swap3A_443, %swap3A_444], %swap3A_447 {strides = array<i32>} : memref<2x16384xf32, #tpu.memory_space<vmem>>, vector<1x16xf32>,
      %mul3A_448 = arith.constant 8 : i32
      %mul3A_449 = arith.muli %scan3A_347, %mul3A_448 : i32
      %add3A_450 = arith.constant 4 : i32
      %add3A_451 = arith.addi %mul3A_449, %add3A_450 : i32
      %mul3A_452 = arith.constant 16 : i32
      %mul3A_453 = arith.muli %add3A_451, %mul3A_452 : i32
      %get3A_454 = arith.constant 1 : i32
      %get3A_455 = arith.index_cast %get3A_454 : i32 to index
      %get3A_456 = arith.index_cast %mul3A_453 : i32 to index
      %get3A_457 = tpu.vector_load %arg9[%get3A_455, %get3A_456] {strides = array<i32>} : memref<2x16384xf32, #tpu.memory_space<vmem>>, vector<1x16xf32>,
      %get3A_458 = vector.shape_cast %get3A_457 : vector<1x16xf32> to vector<16xf32>
      %get3A_459 = arith.constant 1 : i32
      %get3A_460 = arith.index_cast %get3A_459 : i32 to index
      %get3A_461 = arith.index_cast %mul3A_453 : i32 to index
      %get3A_462 = tpu.vector_load %arg10[%get3A_460, %get3A_461] {strides = array<i32>} : memref<2x16384xf32, #tpu.memory_space<vmem>>, vector<1x16xf32>,
      %get3A_463 = vector.shape_cast %get3A_462 : vector<1x16xf32> to vector<16xf32>
      %mul3A_464 = arith.mulf %mul3A_85, %get3A_458 : vector<16xf32>
      %mul3A_465 = arith.mulf %mul3A_148, %get3A_463 : vector<16xf32>
      %add3A_466 = arith.addf %mul3A_464, %mul3A_465 : vector<16xf32>
      %swap3A_467 = arith.constant 1 : i32
      %swap3A_468 = arith.index_cast %swap3A_467 : i32 to index
      %swap3A_469 = arith.index_cast %mul3A_453 : i32 to index
      %swap3A_470 = tpu.vector_load %arg11[%swap3A_468, %swap3A_469] {strides = array<i32>} : memref<2x16384xf32, #tpu.memory_space<vmem>>, vector<1x16xf32>,
      %swap3A_471 = vector.shape_cast %swap3A_470 : vector<1x16xf32> to vector<16xf32>
      %swap3A_472 = vector.shape_cast %add3A_466 : vector<16xf32> to vector<1x16xf32>
      tpu.vector_store %arg11[%swap3A_468, %swap3A_469], %swap3A_472 {strides = array<i32>} : memref<2x16384xf32, #tpu.memory_space<vmem>>, vector<1x16xf32>,
      %mul3A_473 = arith.constant 8 : i32
      %mul3A_474 = arith.muli %scan3A_347, %mul3A_473 : i32
      %add3A_475 = arith.constant 5 : i32
      %add3A_476 = arith.addi %mul3A_474, %add3A_475 : i32
      %mul3A_477 = arith.constant 16 : i32
      %mul3A_478 = arith.muli %add3A_476, %mul3A_477 : i32
      %get3A_479 = arith.constant 1 : i32
      %get3A_480 = arith.index_cast %get3A_479 : i32 to index
      %get3A_481 = arith.index_cast %mul3A_478 : i32 to index
      %get3A_482 = tpu.vector_load %arg9[%get3A_480, %get3A_481] {strides = array<i32>} : memref<2x16384xf32, #tpu.memory_space<vmem>>, vector<1x16xf32>,
      %get3A_483 = vector.shape_cast %get3A_482 : vector<1x16xf32> to vector<16xf32>
      %get3A_484 = arith.constant 1 : i32
      %get3A_485 = arith.index_cast %get3A_484 : i32 to index
      %get3A_486 = arith.index_cast %mul3A_478 : i32 to index
      %get3A_487 = tpu.vector_load %arg10[%get3A_485, %get3A_486] {strides = array<i32>} : memref<2x16384xf32, #tpu.memory_space<vmem>>, vector<1x16xf32>,
      %get3A_488 = vector.shape_cast %get3A_487 : vector<1x16xf32> to vector<16xf32>
      %mul3A_489 = arith.mulf %mul3A_85, %get3A_483 : vector<16xf32>
      %mul3A_490 = arith.mulf %mul3A_148, %get3A_488 : vector<16xf32>
      %add3A_491 = arith.addf %mul3A_489, %mul3A_490 : vector<16xf32>
      %swap3A_492 = arith.constant 1 : i32
      %swap3A_493 = arith.index_cast %swap3A_492 : i32 to index
      %swap3A_494 = arith.index_cast %mul3A_478 : i32 to index
      %swap3A_495 = tpu.vector_load %arg11[%swap3A_493, %swap3A_494] {strides = array<i32>} : memref<2x16384xf32, #tpu.memory_space<vmem>>, vector<1x16xf32>,
      %swap3A_496 = vector.shape_cast %swap3A_495 : vector<1x16xf32> to vector<16xf32>
      %swap3A_497 = vector.shape_cast %add3A_491 : vector<16xf32> to vector<1x16xf32>
      tpu.vector_store %arg11[%swap3A_493, %swap3A_494], %swap3A_497 {strides = array<i32>} : memref<2x16384xf32, #tpu.memory_space<vmem>>, vector<1x16xf32>,
      %mul3A_498 = arith.constant 8 : i32
      %mul3A_499 = arith.muli %scan3A_347, %mul3A_498 : i32
      %add3A_500 = arith.constant 6 : i32
      %add3A_501 = arith.addi %mul3A_499, %add3A_500 : i32
      %mul3A_502 = arith.constant 16 : i32
      %mul3A_503 = arith.muli %add3A_501, %mul3A_502 : i32
      %get3A_504 = arith.constant 1 : i32
      %get3A_505 = arith.index_cast %get3A_504 : i32 to index
      %get3A_506 = arith.index_cast %mul3A_503 : i32 to index
      %get3A_507 = tpu.vector_load %arg9[%get3A_505, %get3A_506] {strides = array<i32>} : memref<2x16384xf32, #tpu.memory_space<vmem>>, vector<1x16xf32>,
      %get3A_508 = vector.shape_cast %get3A_507 : vector<1x16xf32> to vector<16xf32>
      %get3A_509 = arith.constant 1 : i32
      %get3A_510 = arith.index_cast %get3A_509 : i32 to index
      %get3A_511 = arith.index_cast %mul3A_503 : i32 to index
      %get3A_512 = tpu.vector_load %arg10[%get3A_510, %get3A_511] {strides = array<i32>} : memref<2x16384xf32, #tpu.memory_space<vmem>>, vector<1x16xf32>,
      %get3A_513 = vector.shape_cast %get3A_512 : vector<1x16xf32> to vector<16xf32>
      %mul3A_514 = arith.mulf %mul3A_85, %get3A_508 : vector<16xf32>
      %mul3A_515 = arith.mulf %mul3A_148, %get3A_513 : vector<16xf32>
      %add3A_516 = arith.addf %mul3A_514, %mul3A_515 : vector<16xf32>
      %swap3A_517 = arith.constant 1 : i32
      %swap3A_518 = arith.index_cast %swap3A_517 : i32 to index
      %swap3A_519 = arith.index_cast %mul3A_503 : i32 to index
      %swap3A_520 = tpu.vector_load %arg11[%swap3A_518, %swap3A_519] {strides = array<i32>} : memref<2x16384xf32, #tpu.memory_space<vmem>>, vector<1x16xf32>,
      %swap3A_521 = vector.shape_cast %swap3A_520 : vector<1x16xf32> to vector<16xf32>
      %swap3A_522 = vector.shape_cast %add3A_516 : vector<16xf32> to vector<1x16xf32>
      tpu.vector_store %arg11[%swap3A_518, %swap3A_519], %swap3A_522 {strides = array<i32>} : memref<2x16384xf32, #tpu.memory_space<vmem>>, vector<1x16xf32>,
      %mul3A_523 = arith.constant 8 : i32
      %mul3A_524 = arith.muli %scan3A_347, %mul3A_523 : i32
      %add3A_525 = arith.constant 7 : i32
      %add3A_526 = arith.addi %mul3A_524, %add3A_525 : i32
      %mul3A_527 = arith.constant 16 : i32
      %mul3A_528 = arith.muli %add3A_526, %mul3A_527 : i32
      %get3A_529 = arith.constant 1 : i32
      %get3A_530 = arith.index_cast %get3A_529 : i32 to index
      %get3A_531 = arith.index_cast %mul3A_528 : i32 to index
      %get3A_532 = tpu.vector_load %arg9[%get3A_530, %get3A_531] {strides = array<i32>} : memref<2x16384xf32, #tpu.memory_space<vmem>>, vector<1x16xf32>,
      %get3A_533 = vector.shape_cast %get3A_532 : vector<1x16xf32> to vector<16xf32>
      %get3A_534 = arith.constant 1 : i32
      %get3A_535 = arith.index_cast %get3A_534 : i32 to index
      %get3A_536 = arith.index_cast %mul3A_528 : i32 to index
      %get3A_537 = tpu.vector_load %arg10[%get3A_535, %get3A_536] {strides = array<i32>} : memref<2x16384xf32, #tpu.memory_space<vmem>>, vector<1x16xf32>,
      %get3A_538 = vector.shape_cast %get3A_537 : vector<1x16xf32> to vector<16xf32>
      %mul3A_539 = arith.mulf %mul3A_85, %get3A_533 : vector<16xf32>
      %mul3A_540 = arith.mulf %mul3A_148, %get3A_538 : vector<16xf32>
      %add3A_541 = arith.addf %mul3A_539, %mul3A_540 : vector<16xf32>
      %swap3A_542 = arith.constant 1 : i32
      %swap3A_543 = arith.index_cast %swap3A_542 : i32 to index
      %swap3A_544 = arith.index_cast %mul3A_528 : i32 to index
      %swap3A_545 = tpu.vector_load %arg11[%swap3A_543, %swap3A_544] {strides = array<i32>} : memref<2x16384xf32, #tpu.memory_space<vmem>>, vector<1x16xf32>,
      %swap3A_546 = vector.shape_cast %swap3A_545 : vector<1x16xf32> to vector<16xf32>
      %swap3A_547 = vector.shape_cast %add3A_541 : vector<16xf32> to vector<1x16xf32>
      tpu.vector_store %arg11[%swap3A_543, %swap3A_544], %swap3A_547 {strides = array<i32>} : memref<2x16384xf32, #tpu.memory_space<vmem>>, vector<1x16xf32>,
      %scan3A_548 = arith.constant 0 : i32
      scf.yield %scan3A_548 : i32
    }
    %scan3A_265 = arith.constant 128 : i32
    %add3A_266 = arith.constant 16384 : i32
    %add3A_267 = arith.addi %mul3A_18, %add3A_266 : i32
    %run_scoped3A_268 = arith.constant 1 : i32
    "tpu.region"() ({
      %run_scoped3A_347 = tpu.sem_alloc : memref<!tpu.dma_semaphore, #tpu.memory_space<semaphore_mem>>
      %dma_start3A_348 = arith.constant 0 : i32
      %dma_start3A_349 = tpu.memref_slice %arg11[%run_scoped3A_268, %dma_start3A_348] : memref<2x16384xf32, #tpu.memory_space<vmem>> -> memref<1x16384xf32, #tpu.memory_space<vmem>>
      %dma_start3A_350 = tpu.memref_squeeze %dma_start3A_349 : memref<1x16384xf32, #tpu.memory_space<vmem>> -> memref<16384xf32, #tpu.memory_space<vmem>>
      %dma_start3A_351 = tpu.memref_slice %arg6[%add3A_267] : memref<2097152xf32, #tpu.memory_space<hbm>> -> memref<16384xf32, #tpu.memory_space<hbm>>
      %dma_start3A_352 = tpu.memref_slice %arg6[%add3A_267] : memref<2097152xf32, #tpu.memory_space<hbm>> -> memref<16384xf32, #tpu.memory_space<hbm>>
      %dma_start3A_353 = arith.constant 0 : i32
      %dma_start3A_354 = tpu.memref_slice %arg11[%run_scoped3A_268, %dma_start3A_353] : memref<2x16384xf32, #tpu.memory_space<vmem>> -> memref<1x16384xf32, #tpu.memory_space<vmem>>
      %dma_start3A_355 = tpu.memref_squeeze %dma_start3A_354 : memref<1x16384xf32, #tpu.memory_space<vmem>> -> memref<16384xf32, #tpu.memory_space<vmem>>
      tpu.enqueue_dma source(%dma_start3A_355 : memref<16384xf32, #tpu.memory_space<vmem>>) target(%dma_start3A_352 : memref<16384xf32, #tpu.memory_space<hbm>>) target_semaphore(%run_scoped3A_347 : memref<!tpu.dma_semaphore, #tpu.memory_space<semaphore_mem>>)
      %dma_wait3A_356 = arith.constant 0 : i32
      %dma_wait3A_357 = tpu.memref_slice %arg11[%run_scoped3A_268, %dma_wait3A_356] : memref<2x16384xf32, #tpu.memory_space<vmem>> -> memref<1x16384xf32, #tpu.memory_space<vmem>>
      %dma_wait3A_358 = tpu.memref_squeeze %dma_wait3A_357 : memref<1x16384xf32, #tpu.memory_space<vmem>> -> memref<16384xf32, #tpu.memory_space<vmem>>
      %dma_wait3A_359 = tpu.memref_slice %arg6[%add3A_267] : memref<2097152xf32, #tpu.memory_space<hbm>> -> memref<16384xf32, #tpu.memory_space<hbm>>
      %dma_wait3A_360 = tpu.memref_slice %arg6[%add3A_267] : memref<2097152xf32, #tpu.memory_space<hbm>> -> memref<16384xf32, #tpu.memory_space<hbm>>
      %dma_wait3A_361 = arith.constant 0 : i32
      %dma_wait3A_362 = tpu.memref_slice %arg11[%run_scoped3A_268, %dma_wait3A_361] : memref<2x16384xf32, #tpu.memory_space<vmem>> -> memref<1x16384xf32, #tpu.memory_space<vmem>>
      %dma_wait3A_363 = tpu.memref_squeeze %dma_wait3A_362 : memref<1x16384xf32, #tpu.memory_space<vmem>> -> memref<16384xf32, #tpu.memory_space<vmem>>
      tpu.wait_dma2 semaphore(%run_scoped3A_347 : memref<!tpu.dma_semaphore, #tpu.memory_space<semaphore_mem>>) src(%dma_wait3A_363 : memref<16384xf32, #tpu.memory_space<vmem>>) dst(%dma_wait3A_360 : memref<16384xf32, #tpu.memory_space<hbm>>)
      tpu.yield
    }) : () -> ()
    %add3A_269 = arith.constant 49152 : i32
    %add3A_270 = arith.addi %mul3A_18, %add3A_269 : i32
    %dma_start3A_271 = arith.constant 1 : i32
    %dma_start3A_272 = arith.constant 0 : i32
    %dma_start3A_273 = tpu.memref_slice %arg9[%dma_start3A_271, %dma_start3A_272] : memref<2x16384xf32, #tpu.memory_space<vmem>> -> memref<1x16384xf32, #tpu.memory_space<vmem>>
    %dma_start3A_274 = tpu.memref_squeeze %dma_start3A_273 : memref<1x16384xf32, #tpu.memory_space<vmem>> -> memref<16384xf32, #tpu.memory_space<vmem>>
    %dma_start3A_275 = tpu.memref_slice %arg4[%add3A_270] : memref<16777216xf32, #tpu.memory_space<hbm>> -> memref<16384xf32, #tpu.memory_space<hbm>>
    %dma_start3A_276 = arith.constant 0 : i32
    %dma_start3A_277 = tpu.memref_slice %arg9[%dma_start3A_271, %dma_start3A_276] : memref<2x16384xf32, #tpu.memory_space<vmem>> -> memref<1x16384xf32, #tpu.memory_space<vmem>>
    %dma_start3A_278 = tpu.memref_squeeze %dma_start3A_277 : memref<1x16384xf32, #tpu.memory_space<vmem>> -> memref<16384xf32, #tpu.memory_space<vmem>>
    %dma_start3A_279 = tpu.memref_slice %arg4[%add3A_270] : memref<16777216xf32, #tpu.memory_space<hbm>> -> memref<16384xf32, #tpu.memory_space<hbm>>
    tpu.enqueue_dma source(%dma_start3A_279 : memref<16384xf32, #tpu.memory_space<hbm>>) target(%dma_start3A_278 : memref<16384xf32, #tpu.memory_space<vmem>>) target_semaphore(%arg14 : memref<!tpu.dma_semaphore, #tpu.memory_space<semaphore_mem>>)
    %add3A_280 = arith.constant 49152 : i32
    %add3A_281 = arith.addi %mul3A_18, %add3A_280 : i32
    %dma_start3A_282 = arith.constant 1 : i32
    %dma_start3A_283 = arith.constant 0 : i32
    %dma_start3A_284 = tpu.memref_slice %arg10[%dma_start3A_282, %dma_start3A_283] : memref<2x16384xf32, #tpu.memory_space<vmem>> -> memref<1x16384xf32, #tpu.memory_space<vmem>>
    %dma_start3A_285 = tpu.memref_squeeze %dma_start3A_284 : memref<1x16384xf32, #tpu.memory_space<vmem>> -> memref<16384xf32, #tpu.memory_space<vmem>>
    %dma_start3A_286 = tpu.memref_slice %arg5[%add3A_281] : memref<16777216xf32, #tpu.memory_space<hbm>> -> memref<16384xf32, #tpu.memory_space<hbm>>
    %dma_start3A_287 = arith.constant 0 : i32
    %dma_start3A_288 = tpu.memref_slice %arg10[%dma_start3A_282, %dma_start3A_287] : memref<2x16384xf32, #tpu.memory_space<vmem>> -> memref<1x16384xf32, #tpu.memory_space<vmem>>
    %dma_start3A_289 = tpu.memref_squeeze %dma_start3A_288 : memref<1x16384xf32, #tpu.memory_space<vmem>> -> memref<16384xf32, #tpu.memory_space<vmem>>
    %dma_start3A_290 = tpu.memref_slice %arg5[%add3A_281] : memref<16777216xf32, #tpu.memory_space<hbm>> -> memref<16384xf32, #tpu.memory_space<hbm>>
    tpu.enqueue_dma source(%dma_start3A_290 : memref<16384xf32, #tpu.memory_space<hbm>>) target(%dma_start3A_289 : memref<16384xf32, #tpu.memory_space<vmem>>) target_semaphore(%arg16 : memref<!tpu.dma_semaphore, #tpu.memory_space<semaphore_mem>>)
    %dma_wait3A_291 = arith.constant 0 : i32
    %dma_wait3A_292 = arith.constant 0 : i32
    %dma_wait3A_293 = tpu.memref_slice %arg9[%dma_wait3A_291, %dma_wait3A_292] : memref<2x16384xf32, #tpu.memory_space<vmem>> -> memref<1x16384xf32, #tpu.memory_space<vmem>>
    %dma_wait3A_294 = tpu.memref_squeeze %dma_wait3A_293 : memref<1x16384xf32, #tpu.memory_space<vmem>> -> memref<16384xf32, #tpu.memory_space<vmem>>
    %dma_wait3A_295 = tpu.memref_slice %arg4[%add3A_220] : memref<16777216xf32, #tpu.memory_space<hbm>> -> memref<16384xf32, #tpu.memory_space<hbm>>
    %dma_wait3A_296 = arith.constant 0 : i32
    %dma_wait3A_297 = tpu.memref_slice %arg9[%dma_wait3A_291, %dma_wait3A_296] : memref<2x16384xf32, #tpu.memory_space<vmem>> -> memref<1x16384xf32, #tpu.memory_space<vmem>>
    %dma_wait3A_298 = tpu.memref_squeeze %dma_wait3A_297 : memref<1x16384xf32, #tpu.memory_space<vmem>> -> memref<16384xf32, #tpu.memory_space<vmem>>
    %dma_wait3A_299 = tpu.memref_slice %arg4[%add3A_220] : memref<16777216xf32, #tpu.memory_space<hbm>> -> memref<16384xf32, #tpu.memory_space<hbm>>
    tpu.wait_dma2 semaphore(%arg13 : memref<!tpu.dma_semaphore, #tpu.memory_space<semaphore_mem>>) src(%dma_wait3A_299 : memref<16384xf32, #tpu.memory_space<hbm>>) dst(%dma_wait3A_298 : memref<16384xf32, #tpu.memory_space<vmem>>)
    %dma_wait3A_300 = arith.constant 0 : i32
    %dma_wait3A_301 = arith.constant 0 : i32
    %dma_wait3A_302 = tpu.memref_slice %arg10[%dma_wait3A_300, %dma_wait3A_301] : memref<2x16384xf32, #tpu.memory_space<vmem>> -> memref<1x16384xf32, #tpu.memory_space<vmem>>
    %dma_wait3A_303 = tpu.memref_squeeze %dma_wait3A_302 : memref<1x16384xf32, #tpu.memory_space<vmem>> -> memref<16384xf32, #tpu.memory_space<vmem>>
    %dma_wait3A_304 = tpu.memref_slice %arg5[%add3A_231] : memref<16777216xf32, #tpu.memory_space<hbm>> -> memref<16384xf32, #tpu.memory_space<hbm>>
    %dma_wait3A_305 = arith.constant 0 : i32
    %dma_wait3A_306 = tpu.memref_slice %arg10[%dma_wait3A_300, %dma_wait3A_305] : memref<2x16384xf32, #tpu.memory_space<vmem>> -> memref<1x16384xf32, #tpu.memory_space<vmem>>
    %dma_wait3A_307 = tpu.memref_squeeze %dma_wait3A_306 : memref<1x16384xf32, #tpu.memory_space<vmem>> -> memref<16384xf32, #tpu.memory_space<vmem>>
    %dma_wait3A_308 = tpu.memref_slice %arg5[%add3A_231] : memref<16777216xf32, #tpu.memory_space<hbm>> -> memref<16384xf32, #tpu.memory_space<hbm>>
    tpu.wait_dma2 semaphore(%arg15 : memref<!tpu.dma_semaphore, #tpu.memory_space<semaphore_mem>>) src(%dma_wait3A_308 : memref<16384xf32, #tpu.memory_space<hbm>>) dst(%dma_wait3A_307 : memref<16384xf32, #tpu.memory_space<vmem>>)
    %scan3A_309 = arith.constant 0 : i32
    %scan3A_310 = arith.constant 0 : i32
    %scan3A_311 = arith.constant 128 : i32
    %scan3A_312 = arith.addi %scan3A_310, %scan3A_311 : i32
    %scan3A_313 = arith.constant 1 : i32
    %scan3A_314 = scf.for %scan3A_347 = %scan3A_310 to %scan3A_312 step %scan3A_313 iter_args(%scan3A_348 = %scan3A_309) -> (i32)  : i32 {
      %mul3A_349 = arith.constant 8 : i32
      %mul3A_350 = arith.muli %scan3A_347, %mul3A_349 : i32
      %add3A_351 = arith.constant 0 : i32
      %add3A_352 = arith.addi %mul3A_350, %add3A_351 : i32
      %mul3A_353 = arith.constant 16 : i32
      %mul3A_354 = arith.muli %add3A_352, %mul3A_353 : i32
      %get3A_355 = arith.constant 0 : i32
      %get3A_356 = arith.index_cast %get3A_355 : i32 to index
      %get3A_357 = arith.index_cast %mul3A_354 : i32 to index
      %get3A_358 = tpu.vector_load %arg9[%get3A_356, %get3A_357] {strides = array<i32>} : memref<2x16384xf32, #tpu.memory_space<vmem>>, vector<1x16xf32>,
      %get3A_359 = vector.shape_cast %get3A_358 : vector<1x16xf32> to vector<16xf32>
      %get3A_360 = arith.constant 0 : i32
      %get3A_361 = arith.index_cast %get3A_360 : i32 to index
      %get3A_362 = arith.index_cast %mul3A_354 : i32 to index
      %get3A_363 = tpu.vector_load %arg10[%get3A_361, %get3A_362] {strides = array<i32>} : memref<2x16384xf32, #tpu.memory_space<vmem>>, vector<1x16xf32>,
      %get3A_364 = vector.shape_cast %get3A_363 : vector<1x16xf32> to vector<16xf32>
      %mul3A_365 = arith.mulf %mul3A_85, %get3A_359 : vector<16xf32>
      %mul3A_366 = arith.mulf %mul3A_148, %get3A_364 : vector<16xf32>
      %add3A_367 = arith.addf %mul3A_365, %mul3A_366 : vector<16xf32>
      %swap3A = arith.constant 0 : i32
      %swap3A_368 = arith.index_cast %swap3A : i32 to index
      %swap3A_369 = arith.index_cast %mul3A_354 : i32 to index
      %swap3A_370 = tpu.vector_load %arg11[%swap3A_368, %swap3A_369] {strides = array<i32>} : memref<2x16384xf32, #tpu.memory_space<vmem>>, vector<1x16xf32>,
      %swap3A_371 = vector.shape_cast %swap3A_370 : vector<1x16xf32> to vector<16xf32>
      %swap3A_372 = vector.shape_cast %add3A_367 : vector<16xf32> to vector<1x16xf32>
      tpu.vector_store %arg11[%swap3A_368, %swap3A_369], %swap3A_372 {strides = array<i32>} : memref<2x16384xf32, #tpu.memory_space<vmem>>, vector<1x16xf32>,
      %mul3A_373 = arith.constant 8 : i32
      %mul3A_374 = arith.muli %scan3A_347, %mul3A_373 : i32
      %add3A_375 = arith.constant 1 : i32
      %add3A_376 = arith.addi %mul3A_374, %add3A_375 : i32
      %mul3A_377 = arith.constant 16 : i32
      %mul3A_378 = arith.muli %add3A_376, %mul3A_377 : i32
      %get3A_379 = arith.constant 0 : i32
      %get3A_380 = arith.index_cast %get3A_379 : i32 to index
      %get3A_381 = arith.index_cast %mul3A_378 : i32 to index
      %get3A_382 = tpu.vector_load %arg9[%get3A_380, %get3A_381] {strides = array<i32>} : memref<2x16384xf32, #tpu.memory_space<vmem>>, vector<1x16xf32>,
      %get3A_383 = vector.shape_cast %get3A_382 : vector<1x16xf32> to vector<16xf32>
      %get3A_384 = arith.constant 0 : i32
      %get3A_385 = arith.index_cast %get3A_384 : i32 to index
      %get3A_386 = arith.index_cast %mul3A_378 : i32 to index
      %get3A_387 = tpu.vector_load %arg10[%get3A_385, %get3A_386] {strides = array<i32>} : memref<2x16384xf32, #tpu.memory_space<vmem>>, vector<1x16xf32>,
      %get3A_388 = vector.shape_cast %get3A_387 : vector<1x16xf32> to vector<16xf32>
      %mul3A_389 = arith.mulf %mul3A_85, %get3A_383 : vector<16xf32>
      %mul3A_390 = arith.mulf %mul3A_148, %get3A_388 : vector<16xf32>
      %add3A_391 = arith.addf %mul3A_389, %mul3A_390 : vector<16xf32>
      %swap3A_392 = arith.constant 0 : i32
      %swap3A_393 = arith.index_cast %swap3A_392 : i32 to index
      %swap3A_394 = arith.index_cast %mul3A_378 : i32 to index
      %swap3A_395 = tpu.vector_load %arg11[%swap3A_393, %swap3A_394] {strides = array<i32>} : memref<2x16384xf32, #tpu.memory_space<vmem>>, vector<1x16xf32>,
      %swap3A_396 = vector.shape_cast %swap3A_395 : vector<1x16xf32> to vector<16xf32>
      %swap3A_397 = vector.shape_cast %add3A_391 : vector<16xf32> to vector<1x16xf32>
      tpu.vector_store %arg11[%swap3A_393, %swap3A_394], %swap3A_397 {strides = array<i32>} : memref<2x16384xf32, #tpu.memory_space<vmem>>, vector<1x16xf32>,
      %mul3A_398 = arith.constant 8 : i32
      %mul3A_399 = arith.muli %scan3A_347, %mul3A_398 : i32
      %add3A_400 = arith.constant 2 : i32
      %add3A_401 = arith.addi %mul3A_399, %add3A_400 : i32
      %mul3A_402 = arith.constant 16 : i32
      %mul3A_403 = arith.muli %add3A_401, %mul3A_402 : i32
      %get3A_404 = arith.constant 0 : i32
      %get3A_405 = arith.index_cast %get3A_404 : i32 to index
      %get3A_406 = arith.index_cast %mul3A_403 : i32 to index
      %get3A_407 = tpu.vector_load %arg9[%get3A_405, %get3A_406] {strides = array<i32>} : memref<2x16384xf32, #tpu.memory_space<vmem>>, vector<1x16xf32>,
      %get3A_408 = vector.shape_cast %get3A_407 : vector<1x16xf32> to vector<16xf32>
      %get3A_409 = arith.constant 0 : i32
      %get3A_410 = arith.index_cast %get3A_409 : i32 to index
      %get3A_411 = arith.index_cast %mul3A_403 : i32 to index
      %get3A_412 = tpu.vector_load %arg10[%get3A_410, %get3A_411] {strides = array<i32>} : memref<2x16384xf32, #tpu.memory_space<vmem>>, vector<1x16xf32>,
      %get3A_413 = vector.shape_cast %get3A_412 : vector<1x16xf32> to vector<16xf32>
      %mul3A_414 = arith.mulf %mul3A_85, %get3A_408 : vector<16xf32>
      %mul3A_415 = arith.mulf %mul3A_148, %get3A_413 : vector<16xf32>
      %add3A_416 = arith.addf %mul3A_414, %mul3A_415 : vector<16xf32>
      %swap3A_417 = arith.constant 0 : i32
      %swap3A_418 = arith.index_cast %swap3A_417 : i32 to index
      %swap3A_419 = arith.index_cast %mul3A_403 : i32 to index
      %swap3A_420 = tpu.vector_load %arg11[%swap3A_418, %swap3A_419] {strides = array<i32>} : memref<2x16384xf32, #tpu.memory_space<vmem>>, vector<1x16xf32>,
      %swap3A_421 = vector.shape_cast %swap3A_420 : vector<1x16xf32> to vector<16xf32>
      %swap3A_422 = vector.shape_cast %add3A_416 : vector<16xf32> to vector<1x16xf32>
      tpu.vector_store %arg11[%swap3A_418, %swap3A_419], %swap3A_422 {strides = array<i32>} : memref<2x16384xf32, #tpu.memory_space<vmem>>, vector<1x16xf32>,
      %mul3A_423 = arith.constant 8 : i32
      %mul3A_424 = arith.muli %scan3A_347, %mul3A_423 : i32
      %add3A_425 = arith.constant 3 : i32
      %add3A_426 = arith.addi %mul3A_424, %add3A_425 : i32
      %mul3A_427 = arith.constant 16 : i32
      %mul3A_428 = arith.muli %add3A_426, %mul3A_427 : i32
      %get3A_429 = arith.constant 0 : i32
      %get3A_430 = arith.index_cast %get3A_429 : i32 to index
      %get3A_431 = arith.index_cast %mul3A_428 : i32 to index
      %get3A_432 = tpu.vector_load %arg9[%get3A_430, %get3A_431] {strides = array<i32>} : memref<2x16384xf32, #tpu.memory_space<vmem>>, vector<1x16xf32>,
      %get3A_433 = vector.shape_cast %get3A_432 : vector<1x16xf32> to vector<16xf32>
      %get3A_434 = arith.constant 0 : i32
      %get3A_435 = arith.index_cast %get3A_434 : i32 to index
      %get3A_436 = arith.index_cast %mul3A_428 : i32 to index
      %get3A_437 = tpu.vector_load %arg10[%get3A_435, %get3A_436] {strides = array<i32>} : memref<2x16384xf32, #tpu.memory_space<vmem>>, vector<1x16xf32>,
      %get3A_438 = vector.shape_cast %get3A_437 : vector<1x16xf32> to vector<16xf32>
      %mul3A_439 = arith.mulf %mul3A_85, %get3A_433 : vector<16xf32>
      %mul3A_440 = arith.mulf %mul3A_148, %get3A_438 : vector<16xf32>
      %add3A_441 = arith.addf %mul3A_439, %mul3A_440 : vector<16xf32>
      %swap3A_442 = arith.constant 0 : i32
      %swap3A_443 = arith.index_cast %swap3A_442 : i32 to index
      %swap3A_444 = arith.index_cast %mul3A_428 : i32 to index
      %swap3A_445 = tpu.vector_load %arg11[%swap3A_443, %swap3A_444] {strides = array<i32>} : memref<2x16384xf32, #tpu.memory_space<vmem>>, vector<1x16xf32>,
      %swap3A_446 = vector.shape_cast %swap3A_445 : vector<1x16xf32> to vector<16xf32>
      %swap3A_447 = vector.shape_cast %add3A_441 : vector<16xf32> to vector<1x16xf32>
      tpu.vector_store %arg11[%swap3A_443, %swap3A_444], %swap3A_447 {strides = array<i32>} : memref<2x16384xf32, #tpu.memory_space<vmem>>, vector<1x16xf32>,
      %mul3A_448 = arith.constant 8 : i32
      %mul3A_449 = arith.muli %scan3A_347, %mul3A_448 : i32
      %add3A_450 = arith.constant 4 : i32
      %add3A_451 = arith.addi %mul3A_449, %add3A_450 : i32
      %mul3A_452 = arith.constant 16 : i32
      %mul3A_453 = arith.muli %add3A_451, %mul3A_452 : i32
      %get3A_454 = arith.constant 0 : i32
      %get3A_455 = arith.index_cast %get3A_454 : i32 to index
      %get3A_456 = arith.index_cast %mul3A_453 : i32 to index
      %get3A_457 = tpu.vector_load %arg9[%get3A_455, %get3A_456] {strides = array<i32>} : memref<2x16384xf32, #tpu.memory_space<vmem>>, vector<1x16xf32>,
      %get3A_458 = vector.shape_cast %get3A_457 : vector<1x16xf32> to vector<16xf32>
      %get3A_459 = arith.constant 0 : i32
      %get3A_460 = arith.index_cast %get3A_459 : i32 to index
      %get3A_461 = arith.index_cast %mul3A_453 : i32 to index
      %get3A_462 = tpu.vector_load %arg10[%get3A_460, %get3A_461] {strides = array<i32>} : memref<2x16384xf32, #tpu.memory_space<vmem>>, vector<1x16xf32>,
      %get3A_463 = vector.shape_cast %get3A_462 : vector<1x16xf32> to vector<16xf32>
      %mul3A_464 = arith.mulf %mul3A_85, %get3A_458 : vector<16xf32>
      %mul3A_465 = arith.mulf %mul3A_148, %get3A_463 : vector<16xf32>
      %add3A_466 = arith.addf %mul3A_464, %mul3A_465 : vector<16xf32>
      %swap3A_467 = arith.constant 0 : i32
      %swap3A_468 = arith.index_cast %swap3A_467 : i32 to index
      %swap3A_469 = arith.index_cast %mul3A_453 : i32 to index
      %swap3A_470 = tpu.vector_load %arg11[%swap3A_468, %swap3A_469] {strides = array<i32>} : memref<2x16384xf32, #tpu.memory_space<vmem>>, vector<1x16xf32>,
      %swap3A_471 = vector.shape_cast %swap3A_470 : vector<1x16xf32> to vector<16xf32>
      %swap3A_472 = vector.shape_cast %add3A_466 : vector<16xf32> to vector<1x16xf32>
      tpu.vector_store %arg11[%swap3A_468, %swap3A_469], %swap3A_472 {strides = array<i32>} : memref<2x16384xf32, #tpu.memory_space<vmem>>, vector<1x16xf32>,
      %mul3A_473 = arith.constant 8 : i32
      %mul3A_474 = arith.muli %scan3A_347, %mul3A_473 : i32
      %add3A_475 = arith.constant 5 : i32
      %add3A_476 = arith.addi %mul3A_474, %add3A_475 : i32
      %mul3A_477 = arith.constant 16 : i32
      %mul3A_478 = arith.muli %add3A_476, %mul3A_477 : i32
      %get3A_479 = arith.constant 0 : i32
      %get3A_480 = arith.index_cast %get3A_479 : i32 to index
      %get3A_481 = arith.index_cast %mul3A_478 : i32 to index
      %get3A_482 = tpu.vector_load %arg9[%get3A_480, %get3A_481] {strides = array<i32>} : memref<2x16384xf32, #tpu.memory_space<vmem>>, vector<1x16xf32>,
      %get3A_483 = vector.shape_cast %get3A_482 : vector<1x16xf32> to vector<16xf32>
      %get3A_484 = arith.constant 0 : i32
      %get3A_485 = arith.index_cast %get3A_484 : i32 to index
      %get3A_486 = arith.index_cast %mul3A_478 : i32 to index
      %get3A_487 = tpu.vector_load %arg10[%get3A_485, %get3A_486] {strides = array<i32>} : memref<2x16384xf32, #tpu.memory_space<vmem>>, vector<1x16xf32>,
      %get3A_488 = vector.shape_cast %get3A_487 : vector<1x16xf32> to vector<16xf32>
      %mul3A_489 = arith.mulf %mul3A_85, %get3A_483 : vector<16xf32>
      %mul3A_490 = arith.mulf %mul3A_148, %get3A_488 : vector<16xf32>
      %add3A_491 = arith.addf %mul3A_489, %mul3A_490 : vector<16xf32>
      %swap3A_492 = arith.constant 0 : i32
      %swap3A_493 = arith.index_cast %swap3A_492 : i32 to index
      %swap3A_494 = arith.index_cast %mul3A_478 : i32 to index
      %swap3A_495 = tpu.vector_load %arg11[%swap3A_493, %swap3A_494] {strides = array<i32>} : memref<2x16384xf32, #tpu.memory_space<vmem>>, vector<1x16xf32>,
      %swap3A_496 = vector.shape_cast %swap3A_495 : vector<1x16xf32> to vector<16xf32>
      %swap3A_497 = vector.shape_cast %add3A_491 : vector<16xf32> to vector<1x16xf32>
      tpu.vector_store %arg11[%swap3A_493, %swap3A_494], %swap3A_497 {strides = array<i32>} : memref<2x16384xf32, #tpu.memory_space<vmem>>, vector<1x16xf32>,
      %mul3A_498 = arith.constant 8 : i32
      %mul3A_499 = arith.muli %scan3A_347, %mul3A_498 : i32
      %add3A_500 = arith.constant 6 : i32
      %add3A_501 = arith.addi %mul3A_499, %add3A_500 : i32
      %mul3A_502 = arith.constant 16 : i32
      %mul3A_503 = arith.muli %add3A_501, %mul3A_502 : i32
      %get3A_504 = arith.constant 0 : i32
      %get3A_505 = arith.index_cast %get3A_504 : i32 to index
      %get3A_506 = arith.index_cast %mul3A_503 : i32 to index
      %get3A_507 = tpu.vector_load %arg9[%get3A_505, %get3A_506] {strides = array<i32>} : memref<2x16384xf32, #tpu.memory_space<vmem>>, vector<1x16xf32>,
      %get3A_508 = vector.shape_cast %get3A_507 : vector<1x16xf32> to vector<16xf32>
      %get3A_509 = arith.constant 0 : i32
      %get3A_510 = arith.index_cast %get3A_509 : i32 to index
      %get3A_511 = arith.index_cast %mul3A_503 : i32 to index
      %get3A_512 = tpu.vector_load %arg10[%get3A_510, %get3A_511] {strides = array<i32>} : memref<2x16384xf32, #tpu.memory_space<vmem>>, vector<1x16xf32>,
      %get3A_513 = vector.shape_cast %get3A_512 : vector<1x16xf32> to vector<16xf32>
      %mul3A_514 = arith.mulf %mul3A_85, %get3A_508 : vector<16xf32>
      %mul3A_515 = arith.mulf %mul3A_148, %get3A_513 : vector<16xf32>
      %add3A_516 = arith.addf %mul3A_514, %mul3A_515 : vector<16xf32>
      %swap3A_517 = arith.constant 0 : i32
      %swap3A_518 = arith.index_cast %swap3A_517 : i32 to index
      %swap3A_519 = arith.index_cast %mul3A_503 : i32 to index
      %swap3A_520 = tpu.vector_load %arg11[%swap3A_518, %swap3A_519] {strides = array<i32>} : memref<2x16384xf32, #tpu.memory_space<vmem>>, vector<1x16xf32>,
      %swap3A_521 = vector.shape_cast %swap3A_520 : vector<1x16xf32> to vector<16xf32>
      %swap3A_522 = vector.shape_cast %add3A_516 : vector<16xf32> to vector<1x16xf32>
      tpu.vector_store %arg11[%swap3A_518, %swap3A_519], %swap3A_522 {strides = array<i32>} : memref<2x16384xf32, #tpu.memory_space<vmem>>, vector<1x16xf32>,
      %mul3A_523 = arith.constant 8 : i32
      %mul3A_524 = arith.muli %scan3A_347, %mul3A_523 : i32
      %add3A_525 = arith.constant 7 : i32
      %add3A_526 = arith.addi %mul3A_524, %add3A_525 : i32
      %mul3A_527 = arith.constant 16 : i32
      %mul3A_528 = arith.muli %add3A_526, %mul3A_527 : i32
      %get3A_529 = arith.constant 0 : i32
      %get3A_530 = arith.index_cast %get3A_529 : i32 to index
      %get3A_531 = arith.index_cast %mul3A_528 : i32 to index
      %get3A_532 = tpu.vector_load %arg9[%get3A_530, %get3A_531] {strides = array<i32>} : memref<2x16384xf32, #tpu.memory_space<vmem>>, vector<1x16xf32>,
      %get3A_533 = vector.shape_cast %get3A_532 : vector<1x16xf32> to vector<16xf32>
      %get3A_534 = arith.constant 0 : i32
      %get3A_535 = arith.index_cast %get3A_534 : i32 to index
      %get3A_536 = arith.index_cast %mul3A_528 : i32 to index
      %get3A_537 = tpu.vector_load %arg10[%get3A_535, %get3A_536] {strides = array<i32>} : memref<2x16384xf32, #tpu.memory_space<vmem>>, vector<1x16xf32>,
      %get3A_538 = vector.shape_cast %get3A_537 : vector<1x16xf32> to vector<16xf32>
      %mul3A_539 = arith.mulf %mul3A_85, %get3A_533 : vector<16xf32>
      %mul3A_540 = arith.mulf %mul3A_148, %get3A_538 : vector<16xf32>
      %add3A_541 = arith.addf %mul3A_539, %mul3A_540 : vector<16xf32>
      %swap3A_542 = arith.constant 0 : i32
      %swap3A_543 = arith.index_cast %swap3A_542 : i32 to index
      %swap3A_544 = arith.index_cast %mul3A_528 : i32 to index
      %swap3A_545 = tpu.vector_load %arg11[%swap3A_543, %swap3A_544] {strides = array<i32>} : memref<2x16384xf32, #tpu.memory_space<vmem>>, vector<1x16xf32>,
      %swap3A_546 = vector.shape_cast %swap3A_545 : vector<1x16xf32> to vector<16xf32>
      %swap3A_547 = vector.shape_cast %add3A_541 : vector<16xf32> to vector<1x16xf32>
      tpu.vector_store %arg11[%swap3A_543, %swap3A_544], %swap3A_547 {strides = array<i32>} : memref<2x16384xf32, #tpu.memory_space<vmem>>, vector<1x16xf32>,
      %scan3A_548 = arith.constant 0 : i32
      scf.yield %scan3A_548 : i32
    }
    %scan3A_315 = arith.constant 128 : i32
    %add3A_316 = arith.constant 32768 : i32
    %add3A_317 = arith.addi %mul3A_18, %add3A_316 : i32
    %run_scoped3A_318 = arith.constant 0 : i32
    "tpu.region"() ({
      %run_scoped3A_347 = tpu.sem_alloc : memref<!tpu.dma_semaphore, #tpu.memory_space<semaphore_mem>>
      %dma_start3A_348 = arith.constant 0 : i32
      %dma_start3A_349 = tpu.memref_slice %arg11[%run_scoped3A_318, %dma_start3A_348] : memref<2x16384xf32, #tpu.memory_space<vmem>> -> memref<1x16384xf32, #tpu.memory_space<vmem>>
      %dma_start3A_350 = tpu.memref_squeeze %dma_start3A_349 : memref<1x16384xf32, #tpu.memory_space<vmem>> -> memref<16384xf32, #tpu.memory_space<vmem>>
      %dma_start3A_351 = tpu.memref_slice %arg6[%add3A_317] : memref<2097152xf32, #tpu.memory_space<hbm>> -> memref<16384xf32, #tpu.memory_space<hbm>>
      %dma_start3A_352 = tpu.memref_slice %arg6[%add3A_317] : memref<2097152xf32, #tpu.memory_space<hbm>> -> memref<16384xf32, #tpu.memory_space<hbm>>
      %dma_start3A_353 = arith.constant 0 : i32
      %dma_start3A_354 = tpu.memref_slice %arg11[%run_scoped3A_318, %dma_start3A_353] : memref<2x16384xf32, #tpu.memory_space<vmem>> -> memref<1x16384xf32, #tpu.memory_space<vmem>>
      %dma_start3A_355 = tpu.memref_squeeze %dma_start3A_354 : memref<1x16384xf32, #tpu.memory_space<vmem>> -> memref<16384xf32, #tpu.memory_space<vmem>>
      tpu.enqueue_dma source(%dma_start3A_355 : memref<16384xf32, #tpu.memory_space<vmem>>) target(%dma_start3A_352 : memref<16384xf32, #tpu.memory_space<hbm>>) target_semaphore(%run_scoped3A_347 : memref<!tpu.dma_semaphore, #tpu.memory_space<semaphore_mem>>)
      %dma_wait3A_356 = arith.constant 0 : i32
      %dma_wait3A_357 = tpu.memref_slice %arg11[%run_scoped3A_318, %dma_wait3A_356] : memref<2x16384xf32, #tpu.memory_space<vmem>> -> memref<1x16384xf32, #tpu.memory_space<vmem>>
      %dma_wait3A_358 = tpu.memref_squeeze %dma_wait3A_357 : memref<1x16384xf32, #tpu.memory_space<vmem>> -> memref<16384xf32, #tpu.memory_space<vmem>>
      %dma_wait3A_359 = tpu.memref_slice %arg6[%add3A_317] : memref<2097152xf32, #tpu.memory_space<hbm>> -> memref<16384xf32, #tpu.memory_space<hbm>>
      %dma_wait3A_360 = tpu.memref_slice %arg6[%add3A_317] : memref<2097152xf32, #tpu.memory_space<hbm>> -> memref<16384xf32, #tpu.memory_space<hbm>>
      %dma_wait3A_361 = arith.constant 0 : i32
      %dma_wait3A_362 = tpu.memref_slice %arg11[%run_scoped3A_318, %dma_wait3A_361] : memref<2x16384xf32, #tpu.memory_space<vmem>> -> memref<1x16384xf32, #tpu.memory_space<vmem>>
      %dma_wait3A_363 = tpu.memref_squeeze %dma_wait3A_362 : memref<1x16384xf32, #tpu.memory_space<vmem>> -> memref<16384xf32, #tpu.memory_space<vmem>>
      tpu.wait_dma2 semaphore(%run_scoped3A_347 : memref<!tpu.dma_semaphore, #tpu.memory_space<semaphore_mem>>) src(%dma_wait3A_363 : memref<16384xf32, #tpu.memory_space<vmem>>) dst(%dma_wait3A_360 : memref<16384xf32, #tpu.memory_space<hbm>>)
      tpu.yield
    }) : () -> ()
    %dma_wait3A_319 = arith.constant 1 : i32
    %dma_wait3A_320 = arith.constant 0 : i32
    %dma_wait3A_321 = tpu.memref_slice %arg9[%dma_wait3A_319, %dma_wait3A_320] : memref<2x16384xf32, #tpu.memory_space<vmem>> -> memref<1x16384xf32, #tpu.memory_space<vmem>>
    %dma_wait3A_322 = tpu.memref_squeeze %dma_wait3A_321 : memref<1x16384xf32, #tpu.memory_space<vmem>> -> memref<16384xf32, #tpu.memory_space<vmem>>
    %dma_wait3A_323 = tpu.memref_slice %arg4[%add3A_270] : memref<16777216xf32, #tpu.memory_space<hbm>> -> memref<16384xf32, #tpu.memory_space<hbm>>
    %dma_wait3A_324 = arith.constant 0 : i32
    %dma_wait3A_325 = tpu.memref_slice %arg9[%dma_wait3A_319, %dma_wait3A_324] : memref<2x16384xf32, #tpu.memory_space<vmem>> -> memref<1x16384xf32, #tpu.memory_space<vmem>>
    %dma_wait3A_326 = tpu.memref_squeeze %dma_wait3A_325 : memref<1x16384xf32, #tpu.memory_space<vmem>> -> memref<16384xf32, #tpu.memory_space<vmem>>
    %dma_wait3A_327 = tpu.memref_slice %arg4[%add3A_270] : memref<16777216xf32, #tpu.memory_space<hbm>> -> memref<16384xf32, #tpu.memory_space<hbm>>
    tpu.wait_dma2 semaphore(%arg14 : memref<!tpu.dma_semaphore, #tpu.memory_space<semaphore_mem>>) src(%dma_wait3A_327 : memref<16384xf32, #tpu.memory_space<hbm>>) dst(%dma_wait3A_326 : memref<16384xf32, #tpu.memory_space<vmem>>)
    %dma_wait3A_328 = arith.constant 1 : i32
    %dma_wait3A_329 = arith.constant 0 : i32
    %dma_wait3A_330 = tpu.memref_slice %arg10[%dma_wait3A_328, %dma_wait3A_329] : memref<2x16384xf32, #tpu.memory_space<vmem>> -> memref<1x16384xf32, #tpu.memory_space<vmem>>
    %dma_wait3A_331 = tpu.memref_squeeze %dma_wait3A_330 : memref<1x16384xf32, #tpu.memory_space<vmem>> -> memref<16384xf32, #tpu.memory_space<vmem>>
    %dma_wait3A_332 = tpu.memref_slice %arg5[%add3A_281] : memref<16777216xf32, #tpu.memory_space<hbm>> -> memref<16384xf32, #tpu.memory_space<hbm>>
    %dma_wait3A_333 = arith.constant 0 : i32
    %dma_wait3A_334 = tpu.memref_slice %arg10[%dma_wait3A_328, %dma_wait3A_333] : memref<2x16384xf32, #tpu.memory_space<vmem>> -> memref<1x16384xf32, #tpu.memory_space<vmem>>
    %dma_wait3A_335 = tpu.memref_squeeze %dma_wait3A_334 : memref<1x16384xf32, #tpu.memory_space<vmem>> -> memref<16384xf32, #tpu.memory_space<vmem>>
    %dma_wait3A_336 = tpu.memref_slice %arg5[%add3A_281] : memref<16777216xf32, #tpu.memory_space<hbm>> -> memref<16384xf32, #tpu.memory_space<hbm>>
    tpu.wait_dma2 semaphore(%arg16 : memref<!tpu.dma_semaphore, #tpu.memory_space<semaphore_mem>>) src(%dma_wait3A_336 : memref<16384xf32, #tpu.memory_space<hbm>>) dst(%dma_wait3A_335 : memref<16384xf32, #tpu.memory_space<vmem>>)
    %scan3A_337 = arith.constant 0 : i32
    %scan3A_338 = arith.constant 0 : i32
    %scan3A_339 = arith.constant 128 : i32
    %scan3A_340 = arith.addi %scan3A_338, %scan3A_339 : i32
    %scan3A_341 = arith.constant 1 : i32
    %scan3A_342 = scf.for %scan3A_347 = %scan3A_338 to %scan3A_340 step %scan3A_341 iter_args(%scan3A_348 = %scan3A_337) -> (i32)  : i32 {
      %mul3A_349 = arith.constant 8 : i32
      %mul3A_350 = arith.muli %scan3A_347, %mul3A_349 : i32
      %add3A_351 = arith.constant 0 : i32
      %add3A_352 = arith.addi %mul3A_350, %add3A_351 : i32
      %mul3A_353 = arith.constant 16 : i32
      %mul3A_354 = arith.muli %add3A_352, %mul3A_353 : i32
      %get3A_355 = arith.constant 1 : i32
      %get3A_356 = arith.index_cast %get3A_355 : i32 to index
      %get3A_357 = arith.index_cast %mul3A_354 : i32 to index
      %get3A_358 = tpu.vector_load %arg9[%get3A_356, %get3A_357] {strides = array<i32>} : memref<2x16384xf32, #tpu.memory_space<vmem>>, vector<1x16xf32>,
      %get3A_359 = vector.shape_cast %get3A_358 : vector<1x16xf32> to vector<16xf32>
      %get3A_360 = arith.constant 1 : i32
      %get3A_361 = arith.index_cast %get3A_360 : i32 to index
      %get3A_362 = arith.index_cast %mul3A_354 : i32 to index
      %get3A_363 = tpu.vector_load %arg10[%get3A_361, %get3A_362] {strides = array<i32>} : memref<2x16384xf32, #tpu.memory_space<vmem>>, vector<1x16xf32>,
      %get3A_364 = vector.shape_cast %get3A_363 : vector<1x16xf32> to vector<16xf32>
      %mul3A_365 = arith.mulf %mul3A_85, %get3A_359 : vector<16xf32>
      %mul3A_366 = arith.mulf %mul3A_148, %get3A_364 : vector<16xf32>
      %add3A_367 = arith.addf %mul3A_365, %mul3A_366 : vector<16xf32>
      %swap3A = arith.constant 1 : i32
      %swap3A_368 = arith.index_cast %swap3A : i32 to index
      %swap3A_369 = arith.index_cast %mul3A_354 : i32 to index
      %swap3A_370 = tpu.vector_load %arg11[%swap3A_368, %swap3A_369] {strides = array<i32>} : memref<2x16384xf32, #tpu.memory_space<vmem>>, vector<1x16xf32>,
      %swap3A_371 = vector.shape_cast %swap3A_370 : vector<1x16xf32> to vector<16xf32>
      %swap3A_372 = vector.shape_cast %add3A_367 : vector<16xf32> to vector<1x16xf32>
      tpu.vector_store %arg11[%swap3A_368, %swap3A_369], %swap3A_372 {strides = array<i32>} : memref<2x16384xf32, #tpu.memory_space<vmem>>, vector<1x16xf32>,
      %mul3A_373 = arith.constant 8 : i32
      %mul3A_374 = arith.muli %scan3A_347, %mul3A_373 : i32
      %add3A_375 = arith.constant 1 : i32
      %add3A_376 = arith.addi %mul3A_374, %add3A_375 : i32
      %mul3A_377 = arith.constant 16 : i32
      %mul3A_378 = arith.muli %add3A_376, %mul3A_377 : i32
      %get3A_379 = arith.constant 1 : i32
      %get3A_380 = arith.index_cast %get3A_379 : i32 to index
      %get3A_381 = arith.index_cast %mul3A_378 : i32 to index
      %get3A_382 = tpu.vector_load %arg9[%get3A_380, %get3A_381] {strides = array<i32>} : memref<2x16384xf32, #tpu.memory_space<vmem>>, vector<1x16xf32>,
      %get3A_383 = vector.shape_cast %get3A_382 : vector<1x16xf32> to vector<16xf32>
      %get3A_384 = arith.constant 1 : i32
      %get3A_385 = arith.index_cast %get3A_384 : i32 to index
      %get3A_386 = arith.index_cast %mul3A_378 : i32 to index
      %get3A_387 = tpu.vector_load %arg10[%get3A_385, %get3A_386] {strides = array<i32>} : memref<2x16384xf32, #tpu.memory_space<vmem>>, vector<1x16xf32>,
      %get3A_388 = vector.shape_cast %get3A_387 : vector<1x16xf32> to vector<16xf32>
      %mul3A_389 = arith.mulf %mul3A_85, %get3A_383 : vector<16xf32>
      %mul3A_390 = arith.mulf %mul3A_148, %get3A_388 : vector<16xf32>
      %add3A_391 = arith.addf %mul3A_389, %mul3A_390 : vector<16xf32>
      %swap3A_392 = arith.constant 1 : i32
      %swap3A_393 = arith.index_cast %swap3A_392 : i32 to index
      %swap3A_394 = arith.index_cast %mul3A_378 : i32 to index
      %swap3A_395 = tpu.vector_load %arg11[%swap3A_393, %swap3A_394] {strides = array<i32>} : memref<2x16384xf32, #tpu.memory_space<vmem>>, vector<1x16xf32>,
      %swap3A_396 = vector.shape_cast %swap3A_395 : vector<1x16xf32> to vector<16xf32>
      %swap3A_397 = vector.shape_cast %add3A_391 : vector<16xf32> to vector<1x16xf32>
      tpu.vector_store %arg11[%swap3A_393, %swap3A_394], %swap3A_397 {strides = array<i32>} : memref<2x16384xf32, #tpu.memory_space<vmem>>, vector<1x16xf32>,
      %mul3A_398 = arith.constant 8 : i32
      %mul3A_399 = arith.muli %scan3A_347, %mul3A_398 : i32
      %add3A_400 = arith.constant 2 : i32
      %add3A_401 = arith.addi %mul3A_399, %add3A_400 : i32
      %mul3A_402 = arith.constant 16 : i32
      %mul3A_403 = arith.muli %add3A_401, %mul3A_402 : i32
      %get3A_404 = arith.constant 1 : i32
      %get3A_405 = arith.index_cast %get3A_404 : i32 to index
      %get3A_406 = arith.index_cast %mul3A_403 : i32 to index
      %get3A_407 = tpu.vector_load %arg9[%get3A_405, %get3A_406] {strides = array<i32>} : memref<2x16384xf32, #tpu.memory_space<vmem>>, vector<1x16xf32>,
      %get3A_408 = vector.shape_cast %get3A_407 : vector<1x16xf32> to vector<16xf32>
      %get3A_409 = arith.constant 1 : i32
      %get3A_410 = arith.index_cast %get3A_409 : i32 to index
      %get3A_411 = arith.index_cast %mul3A_403 : i32 to index
      %get3A_412 = tpu.vector_load %arg10[%get3A_410, %get3A_411] {strides = array<i32>} : memref<2x16384xf32, #tpu.memory_space<vmem>>, vector<1x16xf32>,
      %get3A_413 = vector.shape_cast %get3A_412 : vector<1x16xf32> to vector<16xf32>
      %mul3A_414 = arith.mulf %mul3A_85, %get3A_408 : vector<16xf32>
      %mul3A_415 = arith.mulf %mul3A_148, %get3A_413 : vector<16xf32>
      %add3A_416 = arith.addf %mul3A_414, %mul3A_415 : vector<16xf32>
      %swap3A_417 = arith.constant 1 : i32
      %swap3A_418 = arith.index_cast %swap3A_417 : i32 to index
      %swap3A_419 = arith.index_cast %mul3A_403 : i32 to index
      %swap3A_420 = tpu.vector_load %arg11[%swap3A_418, %swap3A_419] {strides = array<i32>} : memref<2x16384xf32, #tpu.memory_space<vmem>>, vector<1x16xf32>,
      %swap3A_421 = vector.shape_cast %swap3A_420 : vector<1x16xf32> to vector<16xf32>
      %swap3A_422 = vector.shape_cast %add3A_416 : vector<16xf32> to vector<1x16xf32>
      tpu.vector_store %arg11[%swap3A_418, %swap3A_419], %swap3A_422 {strides = array<i32>} : memref<2x16384xf32, #tpu.memory_space<vmem>>, vector<1x16xf32>,
      %mul3A_423 = arith.constant 8 : i32
      %mul3A_424 = arith.muli %scan3A_347, %mul3A_423 : i32
      %add3A_425 = arith.constant 3 : i32
      %add3A_426 = arith.addi %mul3A_424, %add3A_425 : i32
      %mul3A_427 = arith.constant 16 : i32
      %mul3A_428 = arith.muli %add3A_426, %mul3A_427 : i32
      %get3A_429 = arith.constant 1 : i32
      %get3A_430 = arith.index_cast %get3A_429 : i32 to index
      %get3A_431 = arith.index_cast %mul3A_428 : i32 to index
      %get3A_432 = tpu.vector_load %arg9[%get3A_430, %get3A_431] {strides = array<i32>} : memref<2x16384xf32, #tpu.memory_space<vmem>>, vector<1x16xf32>,
      %get3A_433 = vector.shape_cast %get3A_432 : vector<1x16xf32> to vector<16xf32>
      %get3A_434 = arith.constant 1 : i32
      %get3A_435 = arith.index_cast %get3A_434 : i32 to index
      %get3A_436 = arith.index_cast %mul3A_428 : i32 to index
      %get3A_437 = tpu.vector_load %arg10[%get3A_435, %get3A_436] {strides = array<i32>} : memref<2x16384xf32, #tpu.memory_space<vmem>>, vector<1x16xf32>,
      %get3A_438 = vector.shape_cast %get3A_437 : vector<1x16xf32> to vector<16xf32>
      %mul3A_439 = arith.mulf %mul3A_85, %get3A_433 : vector<16xf32>
      %mul3A_440 = arith.mulf %mul3A_148, %get3A_438 : vector<16xf32>
      %add3A_441 = arith.addf %mul3A_439, %mul3A_440 : vector<16xf32>
      %swap3A_442 = arith.constant 1 : i32
      %swap3A_443 = arith.index_cast %swap3A_442 : i32 to index
      %swap3A_444 = arith.index_cast %mul3A_428 : i32 to index
      %swap3A_445 = tpu.vector_load %arg11[%swap3A_443, %swap3A_444] {strides = array<i32>} : memref<2x16384xf32, #tpu.memory_space<vmem>>, vector<1x16xf32>,
      %swap3A_446 = vector.shape_cast %swap3A_445 : vector<1x16xf32> to vector<16xf32>
      %swap3A_447 = vector.shape_cast %add3A_441 : vector<16xf32> to vector<1x16xf32>
      tpu.vector_store %arg11[%swap3A_443, %swap3A_444], %swap3A_447 {strides = array<i32>} : memref<2x16384xf32, #tpu.memory_space<vmem>>, vector<1x16xf32>,
      %mul3A_448 = arith.constant 8 : i32
      %mul3A_449 = arith.muli %scan3A_347, %mul3A_448 : i32
      %add3A_450 = arith.constant 4 : i32
      %add3A_451 = arith.addi %mul3A_449, %add3A_450 : i32
      %mul3A_452 = arith.constant 16 : i32
      %mul3A_453 = arith.muli %add3A_451, %mul3A_452 : i32
      %get3A_454 = arith.constant 1 : i32
      %get3A_455 = arith.index_cast %get3A_454 : i32 to index
      %get3A_456 = arith.index_cast %mul3A_453 : i32 to index
      %get3A_457 = tpu.vector_load %arg9[%get3A_455, %get3A_456] {strides = array<i32>} : memref<2x16384xf32, #tpu.memory_space<vmem>>, vector<1x16xf32>,
      %get3A_458 = vector.shape_cast %get3A_457 : vector<1x16xf32> to vector<16xf32>
      %get3A_459 = arith.constant 1 : i32
      %get3A_460 = arith.index_cast %get3A_459 : i32 to index
      %get3A_461 = arith.index_cast %mul3A_453 : i32 to index
      %get3A_462 = tpu.vector_load %arg10[%get3A_460, %get3A_461] {strides = array<i32>} : memref<2x16384xf32, #tpu.memory_space<vmem>>, vector<1x16xf32>,
      %get3A_463 = vector.shape_cast %get3A_462 : vector<1x16xf32> to vector<16xf32>
      %mul3A_464 = arith.mulf %mul3A_85, %get3A_458 : vector<16xf32>
      %mul3A_465 = arith.mulf %mul3A_148, %get3A_463 : vector<16xf32>
      %add3A_466 = arith.addf %mul3A_464, %mul3A_465 : vector<16xf32>
      %swap3A_467 = arith.constant 1 : i32
      %swap3A_468 = arith.index_cast %swap3A_467 : i32 to index
      %swap3A_469 = arith.index_cast %mul3A_453 : i32 to index
      %swap3A_470 = tpu.vector_load %arg11[%swap3A_468, %swap3A_469] {strides = array<i32>} : memref<2x16384xf32, #tpu.memory_space<vmem>>, vector<1x16xf32>,
      %swap3A_471 = vector.shape_cast %swap3A_470 : vector<1x16xf32> to vector<16xf32>
      %swap3A_472 = vector.shape_cast %add3A_466 : vector<16xf32> to vector<1x16xf32>
      tpu.vector_store %arg11[%swap3A_468, %swap3A_469], %swap3A_472 {strides = array<i32>} : memref<2x16384xf32, #tpu.memory_space<vmem>>, vector<1x16xf32>,
      %mul3A_473 = arith.constant 8 : i32
      %mul3A_474 = arith.muli %scan3A_347, %mul3A_473 : i32
      %add3A_475 = arith.constant 5 : i32
      %add3A_476 = arith.addi %mul3A_474, %add3A_475 : i32
      %mul3A_477 = arith.constant 16 : i32
      %mul3A_478 = arith.muli %add3A_476, %mul3A_477 : i32
      %get3A_479 = arith.constant 1 : i32
      %get3A_480 = arith.index_cast %get3A_479 : i32 to index
      %get3A_481 = arith.index_cast %mul3A_478 : i32 to index
      %get3A_482 = tpu.vector_load %arg9[%get3A_480, %get3A_481] {strides = array<i32>} : memref<2x16384xf32, #tpu.memory_space<vmem>>, vector<1x16xf32>,
      %get3A_483 = vector.shape_cast %get3A_482 : vector<1x16xf32> to vector<16xf32>
      %get3A_484 = arith.constant 1 : i32
      %get3A_485 = arith.index_cast %get3A_484 : i32 to index
      %get3A_486 = arith.index_cast %mul3A_478 : i32 to index
      %get3A_487 = tpu.vector_load %arg10[%get3A_485, %get3A_486] {strides = array<i32>} : memref<2x16384xf32, #tpu.memory_space<vmem>>, vector<1x16xf32>,
      %get3A_488 = vector.shape_cast %get3A_487 : vector<1x16xf32> to vector<16xf32>
      %mul3A_489 = arith.mulf %mul3A_85, %get3A_483 : vector<16xf32>
      %mul3A_490 = arith.mulf %mul3A_148, %get3A_488 : vector<16xf32>
      %add3A_491 = arith.addf %mul3A_489, %mul3A_490 : vector<16xf32>
      %swap3A_492 = arith.constant 1 : i32
      %swap3A_493 = arith.index_cast %swap3A_492 : i32 to index
      %swap3A_494 = arith.index_cast %mul3A_478 : i32 to index
      %swap3A_495 = tpu.vector_load %arg11[%swap3A_493, %swap3A_494] {strides = array<i32>} : memref<2x16384xf32, #tpu.memory_space<vmem>>, vector<1x16xf32>,
      %swap3A_496 = vector.shape_cast %swap3A_495 : vector<1x16xf32> to vector<16xf32>
      %swap3A_497 = vector.shape_cast %add3A_491 : vector<16xf32> to vector<1x16xf32>
      tpu.vector_store %arg11[%swap3A_493, %swap3A_494], %swap3A_497 {strides = array<i32>} : memref<2x16384xf32, #tpu.memory_space<vmem>>, vector<1x16xf32>,
      %mul3A_498 = arith.constant 8 : i32
      %mul3A_499 = arith.muli %scan3A_347, %mul3A_498 : i32
      %add3A_500 = arith.constant 6 : i32
      %add3A_501 = arith.addi %mul3A_499, %add3A_500 : i32
      %mul3A_502 = arith.constant 16 : i32
      %mul3A_503 = arith.muli %add3A_501, %mul3A_502 : i32
      %get3A_504 = arith.constant 1 : i32
      %get3A_505 = arith.index_cast %get3A_504 : i32 to index
      %get3A_506 = arith.index_cast %mul3A_503 : i32 to index
      %get3A_507 = tpu.vector_load %arg9[%get3A_505, %get3A_506] {strides = array<i32>} : memref<2x16384xf32, #tpu.memory_space<vmem>>, vector<1x16xf32>,
      %get3A_508 = vector.shape_cast %get3A_507 : vector<1x16xf32> to vector<16xf32>
      %get3A_509 = arith.constant 1 : i32
      %get3A_510 = arith.index_cast %get3A_509 : i32 to index
      %get3A_511 = arith.index_cast %mul3A_503 : i32 to index
      %get3A_512 = tpu.vector_load %arg10[%get3A_510, %get3A_511] {strides = array<i32>} : memref<2x16384xf32, #tpu.memory_space<vmem>>, vector<1x16xf32>,
      %get3A_513 = vector.shape_cast %get3A_512 : vector<1x16xf32> to vector<16xf32>
      %mul3A_514 = arith.mulf %mul3A_85, %get3A_508 : vector<16xf32>
      %mul3A_515 = arith.mulf %mul3A_148, %get3A_513 : vector<16xf32>
      %add3A_516 = arith.addf %mul3A_514, %mul3A_515 : vector<16xf32>
      %swap3A_517 = arith.constant 1 : i32
      %swap3A_518 = arith.index_cast %swap3A_517 : i32 to index
      %swap3A_519 = arith.index_cast %mul3A_503 : i32 to index
      %swap3A_520 = tpu.vector_load %arg11[%swap3A_518, %swap3A_519] {strides = array<i32>} : memref<2x16384xf32, #tpu.memory_space<vmem>>, vector<1x16xf32>,
      %swap3A_521 = vector.shape_cast %swap3A_520 : vector<1x16xf32> to vector<16xf32>
      %swap3A_522 = vector.shape_cast %add3A_516 : vector<16xf32> to vector<1x16xf32>
      tpu.vector_store %arg11[%swap3A_518, %swap3A_519], %swap3A_522 {strides = array<i32>} : memref<2x16384xf32, #tpu.memory_space<vmem>>, vector<1x16xf32>,
      %mul3A_523 = arith.constant 8 : i32
      %mul3A_524 = arith.muli %scan3A_347, %mul3A_523 : i32
      %add3A_525 = arith.constant 7 : i32
      %add3A_526 = arith.addi %mul3A_524, %add3A_525 : i32
      %mul3A_527 = arith.constant 16 : i32
      %mul3A_528 = arith.muli %add3A_526, %mul3A_527 : i32
      %get3A_529 = arith.constant 1 : i32
      %get3A_530 = arith.index_cast %get3A_529 : i32 to index
      %get3A_531 = arith.index_cast %mul3A_528 : i32 to index
      %get3A_532 = tpu.vector_load %arg9[%get3A_530, %get3A_531] {strides = array<i32>} : memref<2x16384xf32, #tpu.memory_space<vmem>>, vector<1x16xf32>,
      %get3A_533 = vector.shape_cast %get3A_532 : vector<1x16xf32> to vector<16xf32>
      %get3A_534 = arith.constant 1 : i32
      %get3A_535 = arith.index_cast %get3A_534 : i32 to index
      %get3A_536 = arith.index_cast %mul3A_528 : i32 to index
      %get3A_537 = tpu.vector_load %arg10[%get3A_535, %get3A_536] {strides = array<i32>} : memref<2x16384xf32, #tpu.memory_space<vmem>>, vector<1x16xf32>,
      %get3A_538 = vector.shape_cast %get3A_537 : vector<1x16xf32> to vector<16xf32>
      %mul3A_539 = arith.mulf %mul3A_85, %get3A_533 : vector<16xf32>
      %mul3A_540 = arith.mulf %mul3A_148, %get3A_538 : vector<16xf32>
      %add3A_541 = arith.addf %mul3A_539, %mul3A_540 : vector<16xf32>
      %swap3A_542 = arith.constant 1 : i32
      %swap3A_543 = arith.index_cast %swap3A_542 : i32 to index
      %swap3A_544 = arith.index_cast %mul3A_528 : i32 to index
      %swap3A_545 = tpu.vector_load %arg11[%swap3A_543, %swap3A_544] {strides = array<i32>} : memref<2x16384xf32, #tpu.memory_space<vmem>>, vector<1x16xf32>,
      %swap3A_546 = vector.shape_cast %swap3A_545 : vector<1x16xf32> to vector<16xf32>
      %swap3A_547 = vector.shape_cast %add3A_541 : vector<16xf32> to vector<1x16xf32>
      tpu.vector_store %arg11[%swap3A_543, %swap3A_544], %swap3A_547 {strides = array<i32>} : memref<2x16384xf32, #tpu.memory_space<vmem>>, vector<1x16xf32>,
      %scan3A_548 = arith.constant 0 : i32
      scf.yield %scan3A_548 : i32
    }
    %scan3A_343 = arith.constant 128 : i32
    %add3A_344 = arith.constant 49152 : i32
    %add3A_345 = arith.addi %mul3A_18, %add3A_344 : i32
    %run_scoped3A_346 = arith.constant 1 : i32
    "tpu.region"() ({
      %run_scoped3A_347 = tpu.sem_alloc : memref<!tpu.dma_semaphore, #tpu.memory_space<semaphore_mem>>
      %dma_start3A_348 = arith.constant 0 : i32
      %dma_start3A_349 = tpu.memref_slice %arg11[%run_scoped3A_346, %dma_start3A_348] : memref<2x16384xf32, #tpu.memory_space<vmem>> -> memref<1x16384xf32, #tpu.memory_space<vmem>>
      %dma_start3A_350 = tpu.memref_squeeze %dma_start3A_349 : memref<1x16384xf32, #tpu.memory_space<vmem>> -> memref<16384xf32, #tpu.memory_space<vmem>>
      %dma_start3A_351 = tpu.memref_slice %arg6[%add3A_345] : memref<2097152xf32, #tpu.memory_space<hbm>> -> memref<16384xf32, #tpu.memory_space<hbm>>
      %dma_start3A_352 = tpu.memref_slice %arg6[%add3A_345] : memref<2097152xf32, #tpu.memory_space<hbm>> -> memref<16384xf32, #tpu.memory_space<hbm>>
      %dma_start3A_353 = arith.constant 0 : i32
      %dma_start3A_354 = tpu.memref_slice %arg11[%run_scoped3A_346, %dma_start3A_353] : memref<2x16384xf32, #tpu.memory_space<vmem>> -> memref<1x16384xf32, #tpu.memory_space<vmem>>
      %dma_start3A_355 = tpu.memref_squeeze %dma_start3A_354 : memref<1x16384xf32, #tpu.memory_space<vmem>> -> memref<16384xf32, #tpu.memory_space<vmem>>
      tpu.enqueue_dma source(%dma_start3A_355 : memref<16384xf32, #tpu.memory_space<vmem>>) target(%dma_start3A_352 : memref<16384xf32, #tpu.memory_space<hbm>>) target_semaphore(%run_scoped3A_347 : memref<!tpu.dma_semaphore, #tpu.memory_space<semaphore_mem>>)
      %dma_wait3A_356 = arith.constant 0 : i32
      %dma_wait3A_357 = tpu.memref_slice %arg11[%run_scoped3A_346, %dma_wait3A_356] : memref<2x16384xf32, #tpu.memory_space<vmem>> -> memref<1x16384xf32, #tpu.memory_space<vmem>>
      %dma_wait3A_358 = tpu.memref_squeeze %dma_wait3A_357 : memref<1x16384xf32, #tpu.memory_space<vmem>> -> memref<16384xf32, #tpu.memory_space<vmem>>
      %dma_wait3A_359 = tpu.memref_slice %arg6[%add3A_345] : memref<2097152xf32, #tpu.memory_space<hbm>> -> memref<16384xf32, #tpu.memory_space<hbm>>
      %dma_wait3A_360 = tpu.memref_slice %arg6[%add3A_345] : memref<2097152xf32, #tpu.memory_space<hbm>> -> memref<16384xf32, #tpu.memory_space<hbm>>
      %dma_wait3A_361 = arith.constant 0 : i32
      %dma_wait3A_362 = tpu.memref_slice %arg11[%run_scoped3A_346, %dma_wait3A_361] : memref<2x16384xf32, #tpu.memory_space<vmem>> -> memref<1x16384xf32, #tpu.memory_space<vmem>>
      %dma_wait3A_363 = tpu.memref_squeeze %dma_wait3A_362 : memref<1x16384xf32, #tpu.memory_space<vmem>> -> memref<16384xf32, #tpu.memory_space<vmem>>
      tpu.wait_dma2 semaphore(%run_scoped3A_347 : memref<!tpu.dma_semaphore, #tpu.memory_space<semaphore_mem>>) src(%dma_wait3A_363 : memref<16384xf32, #tpu.memory_space<vmem>>) dst(%dma_wait3A_360 : memref<16384xf32, #tpu.memory_space<hbm>>)
      tpu.yield
    }) : () -> ()
    return
  }
}

module attributes {stable_mosaic.version = 14 : i64} {
  func.func @_qsample_body(%arg0: i32, %arg1: memref<64xi32, #tpu.memory_space<smem>>, %arg2: memref<1000xf32, #tpu.memory_space<smem>>, %arg3: memref<4x2048x128xf32, #tpu.memory_space<vmem>>, %arg4: memref<4x2048x128xf32, #tpu.memory_space<vmem>>, %arg5: memref<4x2048x128xf32, #tpu.memory_space<vmem>>) attributes {dimension_semantics = [#tpu.dimension_semantics<parallel>], iteration_bounds = array<i64: 14>, scalar_prefetch = 0 : i64, scratch_operands = 0 : i64, tpu.core_type = #tpu.core_type<tc>, window_params = [{transform_indices = @transform_0, window_bounds = array<i64: 64>}, {transform_indices = @transform_1, window_bounds = array<i64: 1000>}, {transform_indices = @transform_2, window_bounds = array<i64: 4, 2048, 128>}, {transform_indices = @transform_3, window_bounds = array<i64: 4, 2048, 128>}, {transform_indices = @transform_4, window_bounds = array<i64: 4, 2048, 128>}]} {
    %mul3A = arith.constant 4 : i32
    %mul3A_0 = arith.muli %arg0, %mul3A : i32
    %add3A = arith.constant 8 : i32
    %add3A_1 = arith.addi %add3A, %mul3A_0 : i32
    %add3A_2 = arith.constant 0 : i32
    %add3A_3 = arith.addi %add3A_1, %add3A_2 : i32
    %get3A = arith.index_cast %add3A_3 : i32 to index
    %get3A_4 = memref.load %arg1[%get3A] : memref<64xi32, #tpu.memory_space<smem>>
    %get3A_5 = arith.index_cast %get3A_4 : i32 to index
    %get3A_6 = memref.load %arg2[%get3A_5] : memref<1000xf32, #tpu.memory_space<smem>>
    %sqrt3A = math.sqrt %get3A_6 : f32
    %sub3A = arith.constant 1.000000e+00 : f32
    %sub3A_7 = arith.subf %sub3A, %get3A_6 : f32
    %sqrt3A_8 = math.sqrt %sub3A_7 : f32
    %get3A_9 = arith.constant 0 : index
    %get3A_10 = arith.constant 0 : index
    %get3A_11 = arith.constant 0 : index
    %get3A_12 = vector.load %arg3[%get3A_9, %get3A_10, %get3A_11] : memref<4x2048x128xf32, #tpu.memory_space<vmem>>, vector<1x2048x128xf32>
    %get3A_13 = vector.shape_cast %get3A_12 : vector<1x2048x128xf32> to vector<2048x128xf32>
    %mul3A_14 = vector.broadcast %sqrt3A : f32 to vector<2048x128xf32>
    %mul3A_15 = arith.mulf %mul3A_14, %get3A_13 : vector<2048x128xf32>
    %get3A_16 = arith.constant 0 : index
    %get3A_17 = arith.constant 0 : index
    %get3A_18 = arith.constant 0 : index
    %get3A_19 = vector.load %arg4[%get3A_16, %get3A_17, %get3A_18] : memref<4x2048x128xf32, #tpu.memory_space<vmem>>, vector<1x2048x128xf32>
    %get3A_20 = vector.shape_cast %get3A_19 : vector<1x2048x128xf32> to vector<2048x128xf32>
    %mul3A_21 = vector.broadcast %sqrt3A_8 : f32 to vector<2048x128xf32>
    %mul3A_22 = arith.mulf %mul3A_21, %get3A_20 : vector<2048x128xf32>
    %add3A_23 = arith.addf %mul3A_15, %mul3A_22 : vector<2048x128xf32>
    %swap3A = arith.constant 0 : index
    %swap3A_24 = arith.constant 0 : index
    %swap3A_25 = arith.constant 0 : index
    %swap3A_26 = vector.load %arg5[%swap3A, %swap3A_24, %swap3A_25] : memref<4x2048x128xf32, #tpu.memory_space<vmem>>, vector<1x2048x128xf32>
    %swap3A_27 = vector.shape_cast %swap3A_26 : vector<1x2048x128xf32> to vector<2048x128xf32>
    %swap3A_28 = vector.shape_cast %add3A_23 : vector<2048x128xf32> to vector<1x2048x128xf32>
    tpu.vector_store %arg5[%swap3A, %swap3A_24, %swap3A_25], %swap3A_28 {strides = array<i32>} : memref<4x2048x128xf32, #tpu.memory_space<vmem>>, vector<1x2048x128xf32>,
    %mul3A_29 = arith.constant 4 : i32
    %mul3A_30 = arith.muli %arg0, %mul3A_29 : i32
    %add3A_31 = arith.constant 8 : i32
    %add3A_32 = arith.addi %add3A_31, %mul3A_30 : i32
    %add3A_33 = arith.constant 1 : i32
    %add3A_34 = arith.addi %add3A_32, %add3A_33 : i32
    %get3A_35 = arith.index_cast %add3A_34 : i32 to index
    %get3A_36 = memref.load %arg1[%get3A_35] : memref<64xi32, #tpu.memory_space<smem>>
    %get3A_37 = arith.index_cast %get3A_36 : i32 to index
    %get3A_38 = memref.load %arg2[%get3A_37] : memref<1000xf32, #tpu.memory_space<smem>>
    %sqrt3A_39 = math.sqrt %get3A_38 : f32
    %sub3A_40 = arith.constant 1.000000e+00 : f32
    %sub3A_41 = arith.subf %sub3A_40, %get3A_38 : f32
    %sqrt3A_42 = math.sqrt %sub3A_41 : f32
    %get3A_43 = arith.constant 1 : index
    %get3A_44 = arith.constant 0 : index
    %get3A_45 = arith.constant 0 : index
    %get3A_46 = vector.load %arg3[%get3A_43, %get3A_44, %get3A_45] : memref<4x2048x128xf32, #tpu.memory_space<vmem>>, vector<1x2048x128xf32>
    %get3A_47 = vector.shape_cast %get3A_46 : vector<1x2048x128xf32> to vector<2048x128xf32>
    %mul3A_48 = vector.broadcast %sqrt3A_39 : f32 to vector<2048x128xf32>
    %mul3A_49 = arith.mulf %mul3A_48, %get3A_47 : vector<2048x128xf32>
    %get3A_50 = arith.constant 1 : index
    %get3A_51 = arith.constant 0 : index
    %get3A_52 = arith.constant 0 : index
    %get3A_53 = vector.load %arg4[%get3A_50, %get3A_51, %get3A_52] : memref<4x2048x128xf32, #tpu.memory_space<vmem>>, vector<1x2048x128xf32>
    %get3A_54 = vector.shape_cast %get3A_53 : vector<1x2048x128xf32> to vector<2048x128xf32>
    %mul3A_55 = vector.broadcast %sqrt3A_42 : f32 to vector<2048x128xf32>
    %mul3A_56 = arith.mulf %mul3A_55, %get3A_54 : vector<2048x128xf32>
    %add3A_57 = arith.addf %mul3A_49, %mul3A_56 : vector<2048x128xf32>
    %swap3A_58 = arith.constant 1 : index
    %swap3A_59 = arith.constant 0 : index
    %swap3A_60 = arith.constant 0 : index
    %swap3A_61 = vector.load %arg5[%swap3A_58, %swap3A_59, %swap3A_60] : memref<4x2048x128xf32, #tpu.memory_space<vmem>>, vector<1x2048x128xf32>
    %swap3A_62 = vector.shape_cast %swap3A_61 : vector<1x2048x128xf32> to vector<2048x128xf32>
    %swap3A_63 = vector.shape_cast %add3A_57 : vector<2048x128xf32> to vector<1x2048x128xf32>
    tpu.vector_store %arg5[%swap3A_58, %swap3A_59, %swap3A_60], %swap3A_63 {strides = array<i32>} : memref<4x2048x128xf32, #tpu.memory_space<vmem>>, vector<1x2048x128xf32>,
    %mul3A_64 = arith.constant 4 : i32
    %mul3A_65 = arith.muli %arg0, %mul3A_64 : i32
    %add3A_66 = arith.constant 8 : i32
    %add3A_67 = arith.addi %add3A_66, %mul3A_65 : i32
    %add3A_68 = arith.constant 2 : i32
    %add3A_69 = arith.addi %add3A_67, %add3A_68 : i32
    %get3A_70 = arith.index_cast %add3A_69 : i32 to index
    %get3A_71 = memref.load %arg1[%get3A_70] : memref<64xi32, #tpu.memory_space<smem>>
    %get3A_72 = arith.index_cast %get3A_71 : i32 to index
    %get3A_73 = memref.load %arg2[%get3A_72] : memref<1000xf32, #tpu.memory_space<smem>>
    %sqrt3A_74 = math.sqrt %get3A_73 : f32
    %sub3A_75 = arith.constant 1.000000e+00 : f32
    %sub3A_76 = arith.subf %sub3A_75, %get3A_73 : f32
    %sqrt3A_77 = math.sqrt %sub3A_76 : f32
    %get3A_78 = arith.constant 2 : index
    %get3A_79 = arith.constant 0 : index
    %get3A_80 = arith.constant 0 : index
    %get3A_81 = vector.load %arg3[%get3A_78, %get3A_79, %get3A_80] : memref<4x2048x128xf32, #tpu.memory_space<vmem>>, vector<1x2048x128xf32>
    %get3A_82 = vector.shape_cast %get3A_81 : vector<1x2048x128xf32> to vector<2048x128xf32>
    %mul3A_83 = vector.broadcast %sqrt3A_74 : f32 to vector<2048x128xf32>
    %mul3A_84 = arith.mulf %mul3A_83, %get3A_82 : vector<2048x128xf32>
    %get3A_85 = arith.constant 2 : index
    %get3A_86 = arith.constant 0 : index
    %get3A_87 = arith.constant 0 : index
    %get3A_88 = vector.load %arg4[%get3A_85, %get3A_86, %get3A_87] : memref<4x2048x128xf32, #tpu.memory_space<vmem>>, vector<1x2048x128xf32>
    %get3A_89 = vector.shape_cast %get3A_88 : vector<1x2048x128xf32> to vector<2048x128xf32>
    %mul3A_90 = vector.broadcast %sqrt3A_77 : f32 to vector<2048x128xf32>
    %mul3A_91 = arith.mulf %mul3A_90, %get3A_89 : vector<2048x128xf32>
    %add3A_92 = arith.addf %mul3A_84, %mul3A_91 : vector<2048x128xf32>
    %swap3A_93 = arith.constant 2 : index
    %swap3A_94 = arith.constant 0 : index
    %swap3A_95 = arith.constant 0 : index
    %swap3A_96 = vector.load %arg5[%swap3A_93, %swap3A_94, %swap3A_95] : memref<4x2048x128xf32, #tpu.memory_space<vmem>>, vector<1x2048x128xf32>
    %swap3A_97 = vector.shape_cast %swap3A_96 : vector<1x2048x128xf32> to vector<2048x128xf32>
    %swap3A_98 = vector.shape_cast %add3A_92 : vector<2048x128xf32> to vector<1x2048x128xf32>
    tpu.vector_store %arg5[%swap3A_93, %swap3A_94, %swap3A_95], %swap3A_98 {strides = array<i32>} : memref<4x2048x128xf32, #tpu.memory_space<vmem>>, vector<1x2048x128xf32>,
    %mul3A_99 = arith.constant 4 : i32
    %mul3A_100 = arith.muli %arg0, %mul3A_99 : i32
    %add3A_101 = arith.constant 8 : i32
    %add3A_102 = arith.addi %add3A_101, %mul3A_100 : i32
    %add3A_103 = arith.constant 3 : i32
    %add3A_104 = arith.addi %add3A_102, %add3A_103 : i32
    %get3A_105 = arith.index_cast %add3A_104 : i32 to index
    %get3A_106 = memref.load %arg1[%get3A_105] : memref<64xi32, #tpu.memory_space<smem>>
    %get3A_107 = arith.index_cast %get3A_106 : i32 to index
    %get3A_108 = memref.load %arg2[%get3A_107] : memref<1000xf32, #tpu.memory_space<smem>>
    %sqrt3A_109 = math.sqrt %get3A_108 : f32
    %sub3A_110 = arith.constant 1.000000e+00 : f32
    %sub3A_111 = arith.subf %sub3A_110, %get3A_108 : f32
    %sqrt3A_112 = math.sqrt %sub3A_111 : f32
    %get3A_113 = arith.constant 3 : index
    %get3A_114 = arith.constant 0 : index
    %get3A_115 = arith.constant 0 : index
    %get3A_116 = vector.load %arg3[%get3A_113, %get3A_114, %get3A_115] : memref<4x2048x128xf32, #tpu.memory_space<vmem>>, vector<1x2048x128xf32>
    %get3A_117 = vector.shape_cast %get3A_116 : vector<1x2048x128xf32> to vector<2048x128xf32>
    %mul3A_118 = vector.broadcast %sqrt3A_109 : f32 to vector<2048x128xf32>
    %mul3A_119 = arith.mulf %mul3A_118, %get3A_117 : vector<2048x128xf32>
    %get3A_120 = arith.constant 3 : index
    %get3A_121 = arith.constant 0 : index
    %get3A_122 = arith.constant 0 : index
    %get3A_123 = vector.load %arg4[%get3A_120, %get3A_121, %get3A_122] : memref<4x2048x128xf32, #tpu.memory_space<vmem>>, vector<1x2048x128xf32>
    %get3A_124 = vector.shape_cast %get3A_123 : vector<1x2048x128xf32> to vector<2048x128xf32>
    %mul3A_125 = vector.broadcast %sqrt3A_112 : f32 to vector<2048x128xf32>
    %mul3A_126 = arith.mulf %mul3A_125, %get3A_124 : vector<2048x128xf32>
    %add3A_127 = arith.addf %mul3A_119, %mul3A_126 : vector<2048x128xf32>
    %swap3A_128 = arith.constant 3 : index
    %swap3A_129 = arith.constant 0 : index
    %swap3A_130 = arith.constant 0 : index
    %swap3A_131 = vector.load %arg5[%swap3A_128, %swap3A_129, %swap3A_130] : memref<4x2048x128xf32, #tpu.memory_space<vmem>>, vector<1x2048x128xf32>
    %swap3A_132 = vector.shape_cast %swap3A_131 : vector<1x2048x128xf32> to vector<2048x128xf32>
    %swap3A_133 = vector.shape_cast %add3A_127 : vector<2048x128xf32> to vector<1x2048x128xf32>
    tpu.vector_store %arg5[%swap3A_128, %swap3A_129, %swap3A_130], %swap3A_133 {strides = array<i32>} : memref<4x2048x128xf32, #tpu.memory_space<vmem>>, vector<1x2048x128xf32>,
    return
  }
  func.func @transform_0(%arg0: i32) -> i32 {
    %c0_i32 = arith.constant 0 : i32
    %c0_i32_0 = arith.constant 0 : i32
    return %c0_i32 : i32
  }
  func.func @transform_1(%arg0: i32) -> i32 {
    %c0_i32 = arith.constant 0 : i32
    %c0_i32_0 = arith.constant 0 : i32
    return %c0_i32 : i32
  }
  func.func @transform_2(%arg0: i32) -> (i32, i32, i32) {
    %add3A = arith.constant 2 : i32
    %add3A_0 = arith.addi %arg0, %add3A : i32
    %c0_i32 = arith.constant 0 : i32
    %c0_i32_1 = arith.constant 0 : i32
    %c0_i32_2 = arith.constant 0 : i32
    return %add3A_0, %c0_i32, %c0_i32_1 : i32, i32, i32
  }
  func.func @transform_3(%arg0: i32) -> (i32, i32, i32) {
    %add3A = arith.constant 2 : i32
    %add3A_0 = arith.addi %arg0, %add3A : i32
    %c0_i32 = arith.constant 0 : i32
    %c0_i32_1 = arith.constant 0 : i32
    %c0_i32_2 = arith.constant 0 : i32
    return %add3A_0, %c0_i32, %c0_i32_1 : i32, i32, i32
  }
  func.func @transform_4(%arg0: i32) -> (i32, i32, i32) {
    %add3A = arith.constant 2 : i32
    %add3A_0 = arith.addi %arg0, %add3A : i32
    %c0_i32 = arith.constant 0 : i32
    %c0_i32_1 = arith.constant 0 : i32
    %c0_i32_2 = arith.constant 0 : i32
    return %add3A_0, %c0_i32, %c0_i32_1 : i32, i32, i32
  }
}

</mosaic_0001>

<sc_bundles>
// kernel: kernel.4.cloned.1.call-start
scs
__scs_entry_jumppad:
0x0: {  	(pc) =	sbr.rel $0x88, $3  }
0x1: {  	(tag) =	ssettag $0x0;
	lr =	simm.s32 $0x1  }
0x2: {  	[smem:$0x3F9D] =	sst lr;
	_ =	strace $0xD0000000  }
0x3: {  	_ = 	snop  }
0x4: {  	_ = 	snop  }
0x5: {  	_ = 	snop  }
0x6: {  	_ = 	snop  }
0x7: {  	_ = 	snop  }
__scs_overlays_trampoline_lowered:
0x8: {  	[smem:$0x3FAC] =	sst s0  }
0x9: {  	[smem:$0x3FAD] =	sst s1  }
0xa: {  	[smem:$0x3FAE] =	sst s2  }
0xb: {  	[smem:$0x3FAF] =	sst s3  }
0xc: {  	[smem:$0x3FB0] =	sst s4  }
0xd: {  	[smem:$0x3FB1] =	sst s5  }
0xe: {  	[smem:$0x3FB2] =	sst s6  }
0xf: {  	[smem:$0x3FB3] =	sst s7  }
0x10: {  	[smem:$0x3FB4] =	sst s8  }
0x11: {  	[smem:$0x3FB5] =	sst s9;
	s0 =	simm.s32 @!p0 $0x0  }
0x12: {  	s1 =	sld [smem:$0x3F9B];
	s0 =	simm.s32 @p0 $0x1  }
0x13: {  	[smem:$0x3FB6] =	sst s0;
	s0 =	simm.s32 @!p1 $0x0  }
0x14: {  	s2 =	sld [smem:$0x3F9A];
	s0 =	simm.s32 @p1 $0x1  }
0x15: {  	[smem:$0x3FB7] =	sst s0;
	s0 =	simm.s32 @!p2 $0x0  }
0x16: {  	s3 =	sld [smem:$0x3FDB];
	s0 =	simm.s32 @p2 $0x1  }
0x17: {  	s4 =	simm.s32 $0x1BF5;
	[smem:$0x3FB9] =	sst s0  }
0x18: {  	s0 =	sld [smem:$0x3F9C];
	_ =	swait.ge [sflag:s4], $0x0  }
0x19: {  	s7 =	sld [smem:$0x3F9D]  }
0x1a: {  	s8 =	sadd.s32 $0xFFFFE003, lr  }
0x1b: {  	s9 =	sadd.s32 $0xFFFFFEF7, lr;
	s5 =	simm.s32 $0xFFFFFFFF;
	p2 =	slt.u32 s8, $0xFFFFF086  }
0x1c: {  	p1 =	slt.u32 s9, $0xF7A;
	s5 =	simm.s32 @!p2 $0x0  }
0x1d: {  	s5 =	simm.s32 @p1 $0x1;
	p0 =	seq.s32 s7, s2  }
0x1e: {  	s7 =	smul.u32 @!p0 $0xF7A, s2;
	p2 =	seq.s32 @!p0 s5, $0x0  }
0x1f: {  	s9 =	smul.u32 $0xF7A, s1;
	s8 =	simm.s32 @!p0 $0x1BF5;
	p2 =	por !p2, p0  }
0x20: {  	[sflag:s8] =	ssyncset.s32 @!p0 $0xFFFFF086;
	s6 =	sadd.s32 @!p0 s3, s7;
	s7 =	simm.s32 @!p0 $0x108  }
0x21: {  	s3 =	sadd.s32 s3, s9;
	s6 =	sadd.s32 @!p0 $0x88, s6;
	s7 =	simm.s32 @p2 $0x1082  }
0x22: {  	[simem:s7], [sflag:s8] =	dma.local @!p0 [hbm:s6], $0xF7A  }
0x23: {  	s9 =	sor.u32 $0xD0000000, s2;
	s6 =	simm.s32 $0x108;
	_ =	swait.ge @!p0 [sflag:s8], $0x0  }
0x24: {  	s3 =	sadd.s32 $0x88, s3;
	s6 =	simm.s32 @!p1 $0x1082;
	[sflag:s4] =	ssyncset.s32 $0xFFFFF086  }
0x25: {  	[simem:s6], [sflag:s4] =	dma.local [hbm:s3], $0xF7A  }
0x26: {  	[smem:$0x3F9D] =	sst s1;
	(tag) =	ssettag s2;
	_ =	strace s9  }
0x27: {  	s1 =	sld [smem:$0x3FAD]  }
0x28: {  	s2 =	sld [smem:$0x3FAE]  }
0x29: {  	s4 =	sld [smem:$0x3FB0]  }
0x2a: {  	p0 =	seq.s32 s5, $0x0;
	s5 =	sld [smem:$0x3FB1]  }
0x2b: {  	s6 =	sld [smem:$0x3FB2]  }
0x2c: {  	s7 =	sld [smem:$0x3FB3]  }
0x2d: {  	s3 =	simm.s32 $0x108;
	s8 =	sld [smem:$0x3FB4]  }
0x2e: {  	s3 =	simm.s32 @!p0 $0x1082;
	s9 =	sld [smem:$0x3FB5]  }
0x2f: {  	lr =	sadd.s32 s0, s3;
	s0 =	sld [smem:$0x3FAC]  }
0x30: {  	s3 =	sld [smem:$0x3FAF]  }
0x31: {  	[smem:$0x3FB8] =	sst s10  }
0x32: {  	s10 =	sld [smem:$0x3FB6];
	_ =	sdelay $0x3  }
0x33: {  	p0 =	seq.s32 s10, $0x1;
	s10 =	sld [smem:$0x3FB8];
	_ =	sdelay $0x3  }
0x34: {  	[smem:$0x3FB8] =	sst s10  }
0x35: {  	s10 =	sld [smem:$0x3FB7];
	_ =	sdelay $0x3  }
0x36: {  	p1 =	seq.s32 s10, $0x1;
	s10 =	sld [smem:$0x3FB8];
	_ =	sdelay $0x3  }
0x37: {  	[smem:$0x3FB8] =	sst s10  }
0x38: {  	s10 =	sld [smem:$0x3FB9]  }
0x39: {  	_ = 	snop;
	(pc) =	sbr.ind lr, $3  }
0x3a: {  	_ = 	snop  }
0x3b: {  	_ = 	snop  }
0x3c: {  	p2 =	seq.s32 s10, $0x1;
	s10 =	sld [smem:$0x3FB8]  }
0x3d: {  	_ =	shalt  }
0x3e: {  	_ =	shalt  }
0x3f: {  	_ =	shalt  }
0x40: {  	_ =	shalt  }
0x41: {  	_ =	shalt  }
0x42: {  	_ =	shalt  }
0x43: {  	_ =	shalt  }
0x44: {  	_ =	shalt  }
0x45: {  	_ =	shalt  }
0x46: {  	_ =	shalt  }
0x47: {  	_ =	shalt  }
0x48: {  	_ =	shalt  }
0x49: {  	_ =	shalt  }
0x4a: {  	_ =	shalt  }
0x4b: {  	_ =	shalt  }
0x4c: {  	_ =	shalt  }
0x4d: {  	_ =	shalt  }
0x4e: {  	_ =	shalt  }
0x4f: {  	_ =	shalt  }
0x50: {  	_ =	shalt  }
0x51: {  	_ =	shalt  }
0x52: {  	_ =	shalt  }
0x53: {  	_ =	shalt  }
0x54: {  	_ =	shalt  }
0x55: {  	_ =	shalt  }
0x56: {  	_ =	shalt  }
0x57: {  	_ =	shalt  }
0x58: {  	_ =	shalt  }
0x59: {  	_ =	shalt  }
0x5a: {  	_ =	shalt  }
0x5b: {  	_ =	shalt  }
0x5c: {  	_ =	shalt  }
0x5d: {  	_ =	shalt  }
0x5e: {  	_ =	shalt  }
0x5f: {  	_ =	shalt  }
0x60: {  	_ =	shalt  }
0x61: {  	_ =	shalt  }
0x62: {  	_ =	shalt  }
0x63: {  	_ =	shalt  }
0x64: {  	_ =	shalt  }
0x65: {  	_ =	shalt  }
0x66: {  	_ =	shalt  }
0x67: {  	_ =	shalt  }
0x68: {  	_ =	shalt  }
0x69: {  	_ =	shalt  }
0x6a: {  	_ =	shalt  }
0x6b: {  	_ =	shalt  }
0x6c: {  	_ =	shalt  }
0x6d: {  	_ =	shalt  }
0x6e: {  	_ =	shalt  }
0x6f: {  	_ =	shalt  }
0x70: {  	_ =	shalt  }
0x71: {  	_ =	shalt  }
0x72: {  	_ =	shalt  }
0x73: {  	_ =	shalt  }
0x74: {  	_ =	shalt  }
0x75: {  	_ =	shalt  }
0x76: {  	_ =	shalt  }
0x77: {  	_ =	shalt  }
0x78: {  	_ =	shalt  }
0x79: {  	_ =	shalt  }
0x7a: {  	_ =	shalt  }
0x7b: {  	_ =	shalt  }
0x7c: {  	_ =	shalt  }
0x7d: {  	_ =	shalt  }
0x7e: {  	_ =	shalt  }
0x7f: {  	_ =	shalt  }
0x80: {  	_ =	shalt  }
0x81: {  	_ =	shalt  }
0x82: {  	_ =	shalt  }
0x83: {  	_ =	shalt  }
0x84: {  	_ =	shalt  }
0x85: {  	_ =	shalt  }
0x86: {  	_ =	shalt  }
0x87: {  	_ =	shalt  }
.Lfunc_end0:
.L_simem_size_0:
called_computation_lowered:
.L_overlay_start_0:
0x88: {  	s2 =	sld [smem:$0x3FD9]  }
0x89: {  	s3 =	sld [smem:$0x3FFE];
	_ =	sdelay $0x1  }
0x8a: {  	s1 =	srdreg.scid  }
0x8b: {  	s0 =	sand.u32 $0x1, s1  }
0x8c: {  	s17 =	sshll.u32 s0, $0xA;
	s2 =	sadd.s32 s3, s2  }
0x8d: {  	s2 =	sadd.s32 s2, s17  }
0x8e: {  	[smem:$0x3FC4] =	sst s2  }
0x8f: {  	_ = 	snop  }
0x90: {  	s2 =	sld [smem:$0x3FC9]  }
0x91: {  	s18 =	sld [smem:$0x3FC8]  }
0x92: {  	s4 =	sld [smem:$0x3FC7]  }
0x93: {  	s5 =	sld [smem:$0x3FC6];
	(tm) =	ssettm $0x1  }
0x94: {  	s6 =	sld [smem:$0x3FFB];
	_ =	sdelay $0x3  }
0x95: {  	_ =	strace s6  }
0x96: {  	s6 =	sld [smem:$0x3FFC];
	_ =	sdelay $0x3  }
0x97: {  	_ =	strace s6  }
0x98: {  	s6 =	sld [smem:$0x3FFD];
	_ =	sdelay $0x3  }
0x99: {  	_ =	strace s6  }
0x9a: {  	_ =	strace $0x8FFFFFFF  }
0x9b: {  	s19 =	sld [smem:$0x3FDB];
	_ =	sdelay $0x1  }
0x9c: {  	s7 =	simm.s32 $_scs_section_size  }
0x9d: {  	s8 =	simm.s32 $_size__tile_overlayer_lowered;
	s9 =	simm.s32 $_tile_overlayer_lowered  }
0x9e: {  	s22 =	simm.s32 $0x1BFF;
	s21 =	sshll.u32 s9, $0x1;
	s6 =	sadd.s32 s7, s19  }
0x9f: {  	s10 =	simm.s32 $0x0;
	s20 =	sshll.u32 s8, $0x1;
	s8 =	sadd.s32 s21, s6  }
0xa0: {  	[timem:s10], [sflag:s22] =	dma.local [hbm:s8], s20  }
0xa1: {  	_ =	swait.ge [sflag:s22], s20  }
0xa2: {  	s7 =	ssub.s32 $0x0, s20;
	[sflag:s22] =	ssyncset.done $0x0  }
0xa3: {  	[sflag:s22] =	ssyncadd.s32 s7;
	_ =	sdelay $0x1  }
0xa4: {  	s23 =	simm.s32 $0x1B8B  }
0xa5: {  	_ =	swait.ge [sflag:s23], $0x1  }
0xa6: {  	[sflag:s23] =	ssyncset.done $0x0  }
0xa7: {  	s25 =	simm.s32 $0x1B8E;
	s24 =	sld [smem:$0x3FFE];
	[sflag:s23] =	ssyncadd.s32 $0xFFFFFFFF  }
0xa8: {  	s26 =	simm.s32 $execute0_lowered;
	[smem:$0x3FD2] =	sst s25  }
0xa9: {  	s8 =	sshll.u32 s26, $0x1;
	_ =	strace $0x80000046;
	[dreg:$0x1] =	wrdreg $0xFFFFFFFF  }
0xaa: {  	s28 =	simm.s32 $_size_execute0_lowered;
	s6 =	sadd.s32 s6, s8;
	[dreg:$0x0] =	wrdreg $0x0  }
0xab: {  	s8 =	sshll.u32 s28, $0x1;
	[dreg:$0x2] =	wrdreg s6  }
0xac: {  	[dreg:$0x3] =	wrdreg s8  }
0xad: {  	[dreg:$0x4] =	wrdreg $0xC0  }
0xae: {  	_ =	task [dreg:s10], $0x5FFFF  }
0xaf: {  	[dreg:$0x1] =	wrdreg $0xFFFFFFFF  }
0xb0: {  	[dreg:$0x0] =	wrdreg $0x60  }
0xb1: {  	[dreg:$0x2] =	wrdreg s18  }
0xb2: {  	[dreg:$0x3] =	wrdreg s5  }
0xb3: {  	[dreg:$0x4] =	wrdreg s2  }
0xb4: {  	[dreg:$0x5] =	wrdreg s4  }
0xb5: {  	[dreg:$0x6] =	wrdreg s24  }
0xb6: {  	[dreg:$0x7] =	wrdreg $0x9  }
0xb7: {  	_ =	task.clear_ibuf [dreg:s10], $0x8FFFF;
	_ =	strace $0x90000046  }
0xb8: {  	s29 =	simm.s32 $0x9;
	_ =	strace $0x80000048  }
0xb9: {  	_ =	swait.ge [sflag:s29], $0x1  }
0xba: {  	[sflag:s29] =	ssyncadd.s32 $0xFFFFFFFF  }
0xbb: {  	_ =	strace $0x90000048  }
0xbc: {  	_ =	sfence  }
0xbd: {  	s30 =	sld [smem:$0x0];
	_ =	sdelay $0x2  }
0xbe: {  	s31 =	sshll.u32 s1, $0xD;
	s1 =	sshrl.u32 s1, $0x2  }
0xbf: {  	s3 =	sand.u32 $0x4000, s31;
	s1 =	sadd.s32 s1, s30  }
0xc0: {  	s0 =	sor.u32 s3, s0;
	s1 =	sshll.u32 s1, $0x11  }
0xc1: {  	s0 =	sor.u32 s1, s0  }
0xc2: {  	s0 =	sadd.s32 $0x8F2B, s0  }
0xc3: {  	[sflag:s0] =	ssyncadd.remote.s32 $0x1  }
0xc4: {  	_ =	sfence.sel $0xFFFF  }
0xc5: {  	[dreg:$0x0] =	wrdreg $0xFFFFFFFF;
	(pc) =	sbr.abs _section_cstart, $3  }
0xc6: {  	[dreg:$0x1] =	wrdreg $0xFFFFFFFF  }
0xc7: {  	_ =	task.clear_ibuf [dreg:s10], $0x2FFFF;
	_ =	strace $0x9FFFFFFF  }
0xc8: {  	(tm) =	ssettm $0x7FFFFFFF  }
0xc9: {  	_ =	shalt  }
tec
execute0_lowered:
.L_overlay_start_1:
0x0: {  	(tag) =	ssettag $0x1  }
0x1: {  	s1 =	rddreg [dreg:$0x0]  }
0x2: {  	s2 =	rddreg [dreg:$0x1]  }
0x3: {  	s13 =	rddreg [dreg:$0x2]  }
0x4: {  	s14 =	rddreg [dreg:$0x3]  }
0x5: {  	s5 =	rddreg [dreg:$0x4]  }
0x6: {  	s0 =	rddreg [dreg:$0x5]  }
0x7: {  	s4 =	simm.s32 $0x0;
	s6 =	srdreg.scid;
	s3 =	stileid.u32  }
0x8: {  	s20 =	simm.s32 $0x80;
	s21 =	simm.s32 $0x2;
	s22 =	simm.s32 $0x4  }
0x9: {  	s23 =	simm.s32 $0x6;
	s25 =	simm.s32 $0x5;
	s26 =	simm.s32 $0x0  }
0xa: {  	[smem:$0x7FF] =	sst s4;
	s6 =	sand.u32 $0x1, s6;
	s8 =	sshll.u32 s3, $0xE  }
0xb: {  	s16 =	sadd.s32 $0x800, s5;
	s24 =	sshrl.u32 s3, $0x1;
	s7 =	ssub.s32 $0x2, s6  }
0xc: {  	_ =	strace $0x80000047;
	s6 =	sshll.u32 s6, $0xD;
	s31 =	sshrl.u32 s7, $0x1  }
0xd: {  	v0 =	vmov s24;
	s24 =	simm.s32 $0x3;
	s12 =	sor.u32 s6, s8;
	s17 =	ssub.s32 s7, s31  }
0xe: {  	s15 =	sor.u32 $0x800, s12;
	s5 =	sadd.s32 s13, s12;
	s6 =	sadd.s32 s14, s12  }
0xf: {  	s9 =	sadd.s32 s16, s12;
	s18 =	sor.u32 $0x1000, s12;
	s19 =	sor.u32 $0x1800, s12  }
0x10: {  	s7 =	sadd.s32 s13, s15;
	s8 =	sadd.s32 s14, s15;
	s10 =	sadd.s32 s13, s18  }
0x11: {  	s11 =	sadd.s32 s14, s18;
	s12 =	sadd.s32 s16, s15;
	s13 =	sadd.s32 s13, s19  }
0x12: {  	s14 =	sadd.s32 s14, s19;
	s15 =	sadd.s32 s16, s18;
	s16 =	sadd.s32 s16, s19  }
0x13: {  	vm0 =	vmmov $0xffff;
	v1 =	vimm.f32 $1.999999950e-04;
	s17 =	smax.u32 s17, $0x1;
	s18 =	simm.s32 $0x1;
	s19 =	simm.s32 $0x10  }
.LBB2_1:
0x14: {  	_ =	sdelay $0x3  }
0x15: {  	[tilespmem:s4], [sflag:$0x1] =	stream.indirect_vreg.gather [hbm4b:s1+s4], $0x1, v0, vm0, $0xb8;
	[tilespmem:$0x18100] =	vst v63  }
0x16: {  	_ =	swait.ge [sflag:s18], $0x10  }
0x17: {  	[sflag:s18] =	ssyncset.done $0x0  }
0x18: {  	[sflag:s18] =	ssyncadd.s32 $0xFFFFFFF0  }
0x19: {  	[tilespmem:s20], [sflag:$0x1] =	stream.indirect.gather [hbm4b:s2+s19], $0x1, s4, s19, $0xb8;
	[tilespmem:$0x18100] =	vst v63  }
0x1a: {  	_ =	swait.ge [sflag:s18], $0x10  }
0x1b: {  	[sflag:s18] =	ssyncset.done $0x0  }
0x1c: {  	s28 =	simm.s32 $0x100;
	[sflag:s18] =	ssyncadd.s32 $0xFFFFFFF0  }
0x1d: {  	s29 =	simm.s32 $0x10;
	s31 =	sadd.s32 $0x0, s5;
	s30 =	simm.s32 $0x200;
	v2 =	vld [tilespmem:$0x80]  }
.LBB2_2:
0x1e: {  	[tilespmem:s28], [sflag:$0x2] =	stream.linear.gather [hbm4b:s31+s4], $0x80, $0x38;
	[tilespmem:$0x18100] =	vst v63  }
0x1f: {  	s31 =	smov.u32 s29;
	s28 =	smov.u32 s30;
	p0 =	sne.s32 s29, $0x7F0  }
.Ltmp0:
0x20: {  	s29 =	sadd.s32 $0x10, s29;
	(pc) =	sbr.rel @p0 .LBB2_2-.Ltmp0, $2  }
0x21: {  	_ =	sdelay $0x2  }
0x22: {  	s30 =	sadd.s32 $0x100, s30;
	s31 =	sadd.s32 s31, s5  }
0x23: {  	[tilespmem:s28], [sflag:$0x2] =	stream.linear.gather [hbm4b:s31+s4], $0x80, $0x38;
	[tilespmem:$0x18100] =	vst v63  }
0x24: {  	s28 =	simm.s32 $0x8100  }
0x25: {  	s29 =	simm.s32 $0x10;
	s31 =	sadd.s32 $0x0, s6;
	s30 =	simm.s32 $0x8200  }
.LBB2_4:
0x26: {  	[tilespmem:s28], [sflag:$0x4] =	stream.linear.gather [hbm4b:s31+s4], $0x80, $0x38;
	[tilespmem:$0x18100] =	vst v63  }
0x27: {  	s31 =	smov.u32 s29;
	s28 =	smov.u32 s30;
	p0 =	sne.s32 s29, $0x7F0  }
.Ltmp1:
0x28: {  	s29 =	sadd.s32 $0x10, s29;
	(pc) =	sbr.rel @p0 .LBB2_4-.Ltmp1, $2  }
0x29: {  	_ =	sdelay $0x2  }
0x2a: {  	s30 =	sadd.s32 $0x100, s30;
	s31 =	sadd.s32 s31, s6  }
0x2b: {  	[tilespmem:s28], [sflag:$0x4] =	stream.linear.gather [hbm4b:s31+s4], $0x80, $0x38;
	[tilespmem:$0x18100] =	vst v63  }
0x2c: {  	s28 =	simm.s32 $0x180  }
0x2d: {  	s29 =	simm.s32 $0x10;
	s31 =	sadd.s32 $0x0, s7;
	s30 =	simm.s32 $0x280  }
.LBB2_6:
0x2e: {  	[tilespmem:s28], [sflag:$0x3] =	stream.linear.gather [hbm4b:s31+s4], $0x80, $0x38;
	[tilespmem:$0x18100] =	vst v63  }
0x2f: {  	s31 =	smov.u32 s29;
	s28 =	smov.u32 s30;
	p0 =	sne.s32 s29, $0x7F0  }
.Ltmp2:
0x30: {  	s29 =	sadd.s32 $0x10, s29;
	(pc) =	sbr.rel @p0 .LBB2_6-.Ltmp2, $2  }
0x31: {  	_ =	sdelay $0x2  }
0x32: {  	s30 =	sadd.s32 $0x100, s30;
	s31 =	sadd.s32 s31, s7  }
0x33: {  	[tilespmem:s28], [sflag:$0x3] =	stream.linear.gather [hbm4b:s31+s4], $0x80, $0x38;
	[tilespmem:$0x18100] =	vst v63  }
0x34: {  	s28 =	simm.s32 $0x8180  }
0x35: {  	s30 =	simm.s32 $0x10;
	s29 =	sadd.s32 $0x0, s8;
	s31 =	simm.s32 $0x8280  }
.LBB2_8:
0x36: {  	[tilespmem:s28], [sflag:$0x5] =	stream.linear.gather [hbm4b:s29+s4], $0x80, $0x38;
	[tilespmem:$0x18100] =	vst v63  }
0x37: {  	s29 =	smov.u32 s30;
	s28 =	smov.u32 s31;
	p0 =	sne.s32 s30, $0x7F0  }
.Ltmp3:
0x38: {  	s30 =	sadd.s32 $0x10, s30;
	(pc) =	sbr.rel @p0 .LBB2_8-.Ltmp3, $2  }
0x39: {  	_ =	sdelay $0x2  }
0x3a: {  	s31 =	sadd.s32 $0x100, s31;
	s29 =	sadd.s32 s29, s8  }
0x3b: {  	vm1 =	vgt.f32 v2, $9.999999970e-07  }
0x3c: {  	vm2 =	vgt.f32 v2, $9.999999740e-05;
	v3 =	vsel vm1, $0x3B449BA6, v1  }
0x3d: {  	vm1 =	vgt.f32 v2, $9.999999770e-03;
	v3 =	vsel vm2, $0x3CF5C28F, v3  }
0x3e: {  	v3 =	vsel vm1, $0x3E99999A, v3  }
0x3f: {  	(erf) = vrcp.f32 v3;
	_ =	sdelay $0x8  }
0x40: {  	v4 =	vpop (erf)  }
0x41: {  	v4 =	vmul.f32 v4, v2;
	_ =	sdelay $0x1  }
0x42: {  	v3 =	vadd.f32 v4, v3;
	_ =	sdelay $0x1  }
0x43: {  	v3 =	vmul.f32 $5.000000000e-01, v3;
	_ =	sdelay $0x1  }
0x44: {  	(erf) = vrcp.f32 v3;
	_ =	sdelay $0x8  }
0x45: {  	v4 =	vpop (erf)  }
0x46: {  	v4 =	vmul.f32 v4, v2;
	_ =	sdelay $0x1  }
0x47: {  	v3 =	vadd.f32 v4, v3;
	_ =	sdelay $0x1  }
0x48: {  	v3 =	vmul.f32 $5.000000000e-01, v3;
	_ =	sdelay $0x1  }
0x49: {  	(erf) = vrcp.f32 v3;
	_ =	sdelay $0x8  }
0x4a: {  	v4 =	vpop (erf)  }
0x4b: {  	v4 =	vmul.f32 v4, v2;
	_ =	sdelay $0x1  }
0x4c: {  	v3 =	vadd.f32 v4, v3;
	_ =	sdelay $0x1  }
0x4d: {  	v3 =	vmul.f32 $5.000000000e-01, v3;
	_ =	sdelay $0x1  }
0x4e: {  	(erf) = vrcp.f32 v3;
	_ =	sdelay $0x8  }
0x4f: {  	v4 =	vpop (erf)  }
0x50: {  	v4 =	vmul.f32 v4, v2;
	_ =	sdelay $0x1  }
0x51: {  	v3 =	vadd.f32 v4, v3;
	_ =	sdelay $0x1  }
0x52: {  	v3 =	vmul.f32 $5.000000000e-01, v3;
	_ =	sdelay $0x1  }
0x53: {  	(erf) = vrcp.f32 v3;
	_ =	sdelay $0x8  }
0x54: {  	v4 =	vpop (erf)  }
0x55: {  	v4 =	vmul.f32 v4, v2;
	_ =	sdelay $0x1  }
0x56: {  	v3 =	vadd.f32 v4, v3;
	_ =	sdelay $0x1  }
0x57: {  	v3 =	vmul.f32 $5.000000000e-01, v3;
	_ =	sdelay $0x1  }
0x58: {  	(erf) = vrcp.f32 v3;
	_ =	sdelay $0x8  }
0x59: {  	v4 =	vpop (erf)  }
0x5a: {  	v4 =	vmul.f32 v4, v2;
	_ =	sdelay $0x1  }
0x5b: {  	v3 =	vadd.f32 v4, v3;
	_ =	sdelay $0x1  }
0x5c: {  	v3 =	vmul.f32 $5.000000000e-01, v3;
	_ =	sdelay $0x1  }
0x5d: {  	(erf) = vrcp.f32 v3;
	_ =	sdelay $0x8  }
0x5e: {  	v4 =	vpop (erf)  }
0x5f: {  	v4 =	vmul.f32 v4, v2  }
0x60: {  	v5 =	vsub.f32 $1.000000000e+00, v2  }
0x61: {  	v3 =	vadd.f32 v4, v3  }
0x62: {  	vm1 =	vgt.f32 v5, $9.999999970e-07  }
0x63: {  	vm2 =	vgt.f32 v5, $9.999999740e-05;
	v4 =	vsel vm1, $0x3B449BA6, v1;
	v3 =	vmul.f32 $5.000000000e-01, v3  }
0x64: {  	vm1 =	vgt.f32 v5, $9.999999770e-03;
	v4 =	vsel vm2, $0x3CF5C28F, v4  }
0x65: {  	v4 =	vsel vm1, $0x3E99999A, v4;
	(erf) = vrcp.f32 v3  }
0x66: {  	(erf) = vrcp.f32 v4;
	_ =	sdelay $0x7  }
0x67: {  	v6 =	vpop (erf)  }
0x68: {  	v7 =	vpop (erf)  }
0x69: {  	v7 =	vmul.f32 v7, v5;
	_ =	sdelay $0x1  }
0x6a: {  	v4 =	vadd.f32 v7, v4;
	_ =	sdelay $0x1  }
0x6b: {  	v4 =	vmul.f32 $5.000000000e-01, v4;
	_ =	sdelay $0x1  }
0x6c: {  	(erf) = vrcp.f32 v4;
	_ =	sdelay $0x8  }
0x6d: {  	v7 =	vpop (erf)  }
0x6e: {  	v7 =	vmul.f32 v7, v5;
	_ =	sdelay $0x1  }
0x6f: {  	v4 =	vadd.f32 v7, v4;
	_ =	sdelay $0x1  }
0x70: {  	v4 =	vmul.f32 $5.000000000e-01, v4;
	_ =	sdelay $0x1  }
0x71: {  	(erf) = vrcp.f32 v4;
	_ =	sdelay $0x8  }
0x72: {  	v7 =	vpop (erf)  }
0x73: {  	v7 =	vmul.f32 v7, v5;
	_ =	sdelay $0x1  }
0x74: {  	v4 =	vadd.f32 v7, v4;
	_ =	sdelay $0x1  }
0x75: {  	v4 =	vmul.f32 $5.000000000e-01, v4;
	_ =	sdelay $0x1  }
0x76: {  	(erf) = vrcp.f32 v4;
	_ =	sdelay $0x8  }
0x77: {  	v7 =	vpop (erf)  }
0x78: {  	v7 =	vmul.f32 v7, v5;
	_ =	sdelay $0x1  }
0x79: {  	v4 =	vadd.f32 v7, v4;
	_ =	sdelay $0x1  }
0x7a: {  	v4 =	vmul.f32 $5.000000000e-01, v4;
	_ =	sdelay $0x1  }
0x7b: {  	(erf) = vrcp.f32 v4;
	_ =	sdelay $0x8  }
0x7c: {  	v7 =	vpop (erf)  }
0x7d: {  	v7 =	vmul.f32 v7, v5;
	_ =	sdelay $0x1  }
0x7e: {  	v4 =	vadd.f32 v7, v4;
	_ =	sdelay $0x1  }
0x7f: {  	v4 =	vmul.f32 $5.000000000e-01, v4;
	_ =	sdelay $0x1  }
0x80: {  	(erf) = vrcp.f32 v4;
	_ =	sdelay $0x8  }
0x81: {  	v7 =	vpop (erf)  }
0x82: {  	v7 =	vmul.f32 v7, v5;
	_ =	sdelay $0x1  }
0x83: {  	v4 =	vadd.f32 v7, v4;
	_ =	sdelay $0x1  }
0x84: {  	v4 =	vmul.f32 $5.000000000e-01, v4;
	_ =	sdelay $0x1  }
0x85: {  	(erf) = vrcp.f32 v4;
	_ =	sdelay $0x8  }
0x86: {  	v7 =	vpop (erf)  }
0x87: {  	v7 =	vmul.f32 v7, v5;
	_ =	sdelay $0x1  }
0x88: {  	v4 =	vadd.f32 v7, v4;
	_ =	sdelay $0x1  }
0x89: {  	v4 =	vmul.f32 $5.000000000e-01, v4;
	_ =	sdelay $0x1  }
0x8a: {  	(erf) = vrcp.f32 v4;
	_ =	sdelay $0x8  }
0x8b: {  	[tilespmem:s28], [sflag:$0x5] =	stream.linear.gather [hbm4b:s29+s4], $0x80, $0x38;
	v7 =	vpop (erf);
	[tilespmem:$0x18100] =	vst v63  }
0x8c: {  	_ =	swait.ge [sflag:s21], $0x4000  }
0x8d: {  	[sflag:s21] =	ssyncset.done $0x0  }
0x8e: {  	[sflag:s21] =	ssyncadd.s32 $0xFFFFC000  }
0x8f: {  	_ =	swait.ge [sflag:s22], $0x4000  }
0x90: {  	[sflag:s22] =	ssyncset.done $0x0  }
0x91: {  	s28 =	simm.s32 $0x0;
	[sflag:s22] =	ssyncadd.s32 $0xFFFFC000  }
0x92: {  	v8 =	vld [tilespmem:s28+$0x170]  }
0x93: {  	v2 =	vmul.f32 v6, v2;
	v5 =	vmul.f32 v7, v5;
	v6 =	vld [tilespmem:s28+$0x8170]  }
0x94: {  	v7 =	vld [tilespmem:s28+$0x100]  }
0x95: {  	v2 =	vadd.f32 v2, v3;
	v3 =	vadd.f32 v5, v4;
	v4 =	vld [tilespmem:s28+$0x8100]  }
0x96: {  	v5 =	vld [tilespmem:s28+$0x110]  }
0x97: {  	v2 =	vmul.f32 $5.000000000e-01, v2;
	v3 =	vmul.f32 $5.000000000e-01, v3;
	v9 =	vld [tilespmem:s28+$0x8110]  }
0x98: {  	v10 =	vld [tilespmem:s28+$0x120]  }
0x99: {  	v11 =	vld [tilespmem:s28+$0x8120];
	v8 =	vmul.f32 v8, v2;
	v6 =	vmul.f32 v6, v3  }
0x9a: {  	v12 =	vld [tilespmem:s28+$0x130]  }
0x9b: {  	v7 =	vmul.f32 v7, v2;
	v4 =	vmul.f32 v4, v3;
	v6 =	vadd.f32 v6, v8;
	v8 =	vld [tilespmem:s28+$0x8130]  }
0x9c: {  	v13 =	vld [tilespmem:s28+$0x140]  }
0x9d: {  	v14 =	vld [tilespmem:s28+$0x8140];
	v5 =	vmul.f32 v5, v2;
	v4 =	vadd.f32 v4, v7;
	[tilespmem:s28+$0x10170] =	vst v6;
	v6 =	vmul.f32 v9, v3  }
0x9e: {  	v7 =	vld [tilespmem:s28+$0x150];
	v9 =	vmul.f32 v10, v2;
	v10 =	vmul.f32 v11, v3  }
0x9f: {  	[tilespmem:s28+$0x10100] =	vst v4;
	v4 =	vadd.f32 v6, v5;
	v5 =	vld [tilespmem:s28+$0x8150]  }
0xa0: {  	v11 =	vmul.f32 v12, v2;
	v6 =	vld [tilespmem:s28+$0x160];
	v10 =	vadd.f32 v10, v9;
	v63 =	vmul.f32 v8, v3  }
0xa1: {  	s29 =	simm.s32 $0x100;
	v8 =	vld [tilespmem:s28+$0x8160];
	[tilespmem:s28+$0x10110] =	vst v4  }
0xa2: {  	s30 =	simm.s32 $0x800;
	v9 =	vmul.f32 v13, v2;
	v4 =	vld [tilespmem:s29+$0x170];
	[tilespmem:s28+$0x10120] =	vst v10;
	v10 =	vadd.f32 v63, v11;
	v11 =	vmul.f32 v14, v3  }
.LBB2_10:
0xa3: {  	p0 =	sne.s32 s30, $0x1FC00;
	v12 =	vld [tilespmem:s29+$0x8170];
	v7 =	vmul.f32 v7, v2  }
0xa4: {  	v13 =	vld [tilespmem:s29+$0x100];
	[tilespmem:s28+$0x10130] =	vst v10;
	v9 =	vadd.f32 v11, v9;
	v5 =	vmul.f32 v5, v3  }
0xa5: {  	v10 =	vld [tilespmem:s29+$0x8100];
	v6 =	vmul.f32 v6, v2  }
0xa6: {  	v11 =	vld [tilespmem:s29+$0x110];
	[tilespmem:s28+$0x10140] =	vst v9;
	v5 =	vadd.f32 v5, v7;
	v7 =	vmul.f32 v8, v3  }
0xa7: {  	v8 =	vld [tilespmem:s29+$0x8110]  }
0xa8: {  	v4 =	vmul.f32 v4, v2;
	v9 =	vld [tilespmem:s29+$0x120];
	v12 =	vmul.f32 v12, v3;
	[tilespmem:s28+$0x10150] =	vst v5;
	v5 =	vadd.f32 v7, v6  }
0xa9: {  	v6 =	vmul.f32 v13, v2;
	v7 =	vld [tilespmem:s29+$0x8120]  }
0xaa: {  	v10 =	vmul.f32 v10, v3;
	v13 =	vld [tilespmem:s29+$0x130];
	v4 =	vadd.f32 v12, v4;
	[tilespmem:s28+$0x10160] =	vst v5;
	s28 =	smov.u32 s29  }
0xab: {  	v5 =	vmul.f32 v11, v2;
	v11 =	vld [tilespmem:s28+$0x8130]  }
0xac: {  	v6 =	vadd.f32 v10, v6;
	v8 =	vmul.f32 v8, v3;
	v10 =	vld [tilespmem:s28+$0x140];
	[tilespmem:s28+$0x10170] =	vst v4  }
0xad: {  	v4 =	vmul.f32 v9, v2;
	v12 =	vld [tilespmem:s28+$0x8140]  }
.Ltmp4:
0xae: {  	[tilespmem:s28+$0x10100] =	vst v6;
	v6 =	vadd.f32 v8, v5;
	v8 =	vmul.f32 v7, v3;
	v7 =	vld [tilespmem:s28+$0x150];
	(pc) =	sbr.rel @p0 .LBB2_10-.Ltmp4, $4  }
0xaf: {  	v13 =	vmul.f32 v13, v2;
	v5 =	vld [tilespmem:s28+$0x8150]  }
0xb0: {  	[tilespmem:s28+$0x10110] =	vst v6;
	v14 =	vadd.f32 v8, v4;
	v11 =	vmul.f32 v11, v3;
	v6 =	vld [tilespmem:s28+$0x160]  }
0xb1: {  	s29 =	sshra.s32 s30, $0x2;
	v9 =	vmul.f32 v10, v2;
	v8 =	vld [tilespmem:s28+$0x8160]  }
0xb2: {  	s30 =	sadd.s32 $0x400, s30;
	v4 =	vld [tilespmem:s29+$0x170];
	[tilespmem:s28+$0x10120] =	vst v14;
	v10 =	vadd.f32 v11, v13;
	v11 =	vmul.f32 v12, v3  }
0xb3: {  	v12 =	vld [tilespmem:s29+$0x8170]  }
0xb4: {  	v13 =	vld [tilespmem:s29+$0x100];
	v7 =	vmul.f32 v7, v2;
	[tilespmem:s28+$0x10130] =	vst v10;
	v9 =	vadd.f32 v11, v9;
	v5 =	vmul.f32 v5, v3  }
0xb5: {  	v10 =	vld [tilespmem:s29+$0x8100]  }
0xb6: {  	v51 =	vld [tilespmem:s29+$0x110];
	v6 =	vmul.f32 v6, v2;
	[tilespmem:s28+$0x10140] =	vst v9;
	v5 =	vadd.f32 v5, v7;
	v8 =	vmul.f32 v8, v3  }
0xb7: {  	v52 =	vld [tilespmem:s29+$0x8110]  }
0xb8: {  	v9 =	vld [tilespmem:s29+$0x120];
	[tilespmem:s28+$0x10150] =	vst v5;
	v5 =	vadd.f32 v8, v6  }
0xb9: {  	v4 =	vmul.f32 v4, v2;
	v54 =	vmul.f32 v12, v3;
	v53 =	vld [tilespmem:s29+$0x8120]  }
0xba: {  	v55 =	vld [tilespmem:s29+$0x130];
	[tilespmem:s28+$0x10160] =	vst v5  }
0xbb: {  	v4 =	vadd.f32 v54, v4;
	v56 =	vld [tilespmem:s29+$0x8130]  }
0xbc: {  	v5 =	vmul.f32 v13, v2;
	v10 =	vmul.f32 v10, v3;
	v57 =	vld [tilespmem:s29+$0x140]  }
0xbd: {  	v58 =	vld [tilespmem:s29+$0x8140];
	[tilespmem:s29+$0x10170] =	vst v4;
	v4 =	vmul.f32 v51, v2;
	v7 =	vmul.f32 v52, v3  }
0xbe: {  	v59 =	vld [tilespmem:s29+$0x8150];
	v5 =	vadd.f32 v10, v5  }
0xbf: {  	v60 =	vld [tilespmem:s29+$0x8160];
	v4 =	vadd.f32 v7, v4  }
0xc0: {  	[tilespmem:s29+$0x10100] =	vst v5;
	v5 =	vld [tilespmem:s29+$0x150]  }
0xc1: {  	[tilespmem:s29+$0x10110] =	vst v4;
	v4 =	vld [tilespmem:s29+$0x160]  }
0xc2: {  	v9 =	vmul.f32 v9, v2;
	v6 =	vmul.f32 v53, v3  }
0xc3: {  	v12 =	vmul.f32 v55, v2;
	v8 =	vmul.f32 v56, v3  }
0xc4: {  	v6 =	vadd.f32 v6, v9;
	v61 =	vmul.f32 v57, v2;
	v10 =	vmul.f32 v58, v3  }
0xc5: {  	v7 =	vmul.f32 v59, v3;
	v8 =	vadd.f32 v8, v12;
	v5 =	vmul.f32 v5, v2  }
0xc6: {  	v63 =	vmul.f32 v60, v3;
	[tilespmem:s29+$0x10120] =	vst v6;
	v62 =	vadd.f32 v10, v61;
	v4 =	vmul.f32 v4, v2  }
0xc7: {  	[tilespmem:s29+$0x10130] =	vst v8;
	v5 =	vadd.f32 v7, v5  }
0xc8: {  	[tilespmem:s29+$0x10140] =	vst v62;
	v4 =	vadd.f32 v63, v4  }
0xc9: {  	s31 =	sadd.s32 $0x0, s9;
	[tilespmem:s29+$0x10150] =	vst v5  }
0xca: {  	s30 =	simm.s32 $0x10200;
	s28 =	simm.s32 $0x10100;
	[tilespmem:s29+$0x10160] =	vst v4;
	s29 =	simm.s32 $0x10  }
.LBB2_12:
0xcb: {  	[hbm4b:s31+s4] =	stream.linear.scatter [tilespmem:s28], [sflag:$0x6], $0x80, $0x38;
	[tilespmem:$0x18100] =	vst v63  }
0xcc: {  	s31 =	smov.u32 s29;
	s28 =	smov.u32 s30;
	p0 =	sne.s32 s29, $0x7F0  }
.Ltmp5:
0xcd: {  	s29 =	sadd.s32 $0x10, s29;
	(pc) =	sbr.rel @p0 .LBB2_12-.Ltmp5, $2  }
0xce: {  	_ =	sdelay $0x2  }
0xcf: {  	s30 =	sadd.s32 $0x100, s30;
	s31 =	sadd.s32 s31, s9  }
0xd0: {  	[hbm4b:s31+s4] =	stream.linear.scatter [tilespmem:s28], [sflag:$0x6], $0x80, $0x38;
	[tilespmem:$0x18100] =	vst v63  }
0xd1: {  	_ =	swait.ge [sflag:s23], $0x4000  }
0xd2: {  	s28 =	simm.s32 $0x100;
	s29 =	simm.s32 $0x10;
	[sflag:s23] =	ssyncset.done $0x0  }
0xd3: {  	s31 =	sadd.s32 $0x0, s10;
	s30 =	simm.s32 $0x200;
	[sflag:s23] =	ssyncadd.s32 $0xFFFFC000  }
.LBB2_14:
0xd4: {  	[tilespmem:s28], [sflag:$0x2] =	stream.linear.gather [hbm4b:s31+s4], $0x80, $0x38;
	[tilespmem:$0x18100] =	vst v63  }
0xd5: {  	s31 =	smov.u32 s29;
	s28 =	smov.u32 s30;
	p0 =	sne.s32 s29, $0x7F0  }
.Ltmp6:
0xd6: {  	s29 =	sadd.s32 $0x10, s29;
	(pc) =	sbr.rel @p0 .LBB2_14-.Ltmp6, $2  }
0xd7: {  	_ =	sdelay $0x2  }
0xd8: {  	s30 =	sadd.s32 $0x100, s30;
	s31 =	sadd.s32 s31, s10  }
0xd9: {  	[tilespmem:s28], [sflag:$0x2] =	stream.linear.gather [hbm4b:s31+s4], $0x80, $0x38;
	[tilespmem:$0x18100] =	vst v63  }
0xda: {  	s28 =	simm.s32 $0x8100  }
0xdb: {  	s29 =	simm.s32 $0x10;
	s31 =	sadd.s32 $0x0, s11;
	s30 =	simm.s32 $0x8200  }
.LBB2_16:
0xdc: {  	[tilespmem:s28], [sflag:$0x4] =	stream.linear.gather [hbm4b:s31+s4], $0x80, $0x38;
	[tilespmem:$0x18100] =	vst v63  }
0xdd: {  	s31 =	smov.u32 s29;
	s28 =	smov.u32 s30;
	p0 =	sne.s32 s29, $0x7F0  }
.Ltmp7:
0xde: {  	s29 =	sadd.s32 $0x10, s29;
	(pc) =	sbr.rel @p0 .LBB2_16-.Ltmp7, $2  }
0xdf: {  	_ =	sdelay $0x2  }
0xe0: {  	s30 =	sadd.s32 $0x100, s30;
	s31 =	sadd.s32 s31, s11  }
0xe1: {  	[tilespmem:s28], [sflag:$0x4] =	stream.linear.gather [hbm4b:s31+s4], $0x80, $0x38;
	[tilespmem:$0x18100] =	vst v63  }
0xe2: {  	_ =	swait.ge [sflag:s24], $0x4000  }
0xe3: {  	[sflag:s24] =	ssyncset.done $0x0  }
0xe4: {  	[sflag:s24] =	ssyncadd.s32 $0xFFFFC000  }
0xe5: {  	_ =	swait.ge [sflag:s25], $0x4000  }
0xe6: {  	[sflag:s25] =	ssyncset.done $0x0  }
0xe7: {  	s28 =	simm.s32 $0x0;
	[sflag:s25] =	ssyncadd.s32 $0xFFFFC000  }
0xe8: {  	v4 =	vld [tilespmem:s28+$0x1F0]  }
0xe9: {  	v5 =	vld [tilespmem:s28+$0x81F0]  }
0xea: {  	v6 =	vld [tilespmem:s28+$0x180]  }
0xeb: {  	v7 =	vld [tilespmem:s28+$0x8180]  }
0xec: {  	v8 =	vld [tilespmem:s28+$0x190]  }
0xed: {  	v9 =	vld [tilespmem:s28+$0x8190]  }
0xee: {  	v10 =	vld [tilespmem:s28+$0x1A0]  }
0xef: {  	v11 =	vld [tilespmem:s28+$0x81A0];
	v4 =	vmul.f32 v4, v2;
	v5 =	vmul.f32 v5, v3  }
0xf0: {  	v12 =	vld [tilespmem:s28+$0x1B0]  }
0xf1: {  	v13 =	vld [tilespmem:s28+$0x81B0];
	v6 =	vmul.f32 v6, v2;
	v7 =	vmul.f32 v7, v3;
	v4 =	vadd.f32 v5, v4  }
0xf2: {  	v14 =	vld [tilespmem:s28+$0x1C0]  }
0xf3: {  	v15 =	vld [tilespmem:s28+$0x81C0];
	v5 =	vadd.f32 v7, v6;
	v6 =	vmul.f32 v9, v3;
	[tilespmem:s28+$0x101F0] =	vst v4;
	v4 =	vmul.f32 v8, v2  }
0xf4: {  	v7 =	vld [tilespmem:s28+$0x1D0];
	v9 =	vmul.f32 v11, v3;
	v8 =	vmul.f32 v10, v2  }
0xf5: {  	[tilespmem:s28+$0x10180] =	vst v5;
	v5 =	vld [tilespmem:s28+$0x81D0];
	v4 =	vadd.f32 v6, v4  }
0xf6: {  	v63 =	vmul.f32 v13, v3;
	v10 =	vmul.f32 v12, v2;
	v6 =	vld [tilespmem:s28+$0x1E0];
	v11 =	vadd.f32 v9, v8  }
0xf7: {  	s29 =	simm.s32 $0x100;
	v8 =	vld [tilespmem:s28+$0x81E0];
	[tilespmem:s28+$0x10190] =	vst v4  }
0xf8: {  	s30 =	simm.s32 $0x800;
	v9 =	vmul.f32 v14, v2;
	v10 =	vadd.f32 v63, v10;
	v4 =	vld [tilespmem:s29+$0x1F0];
	[tilespmem:s28+$0x101A0] =	vst v11;
	v11 =	vmul.f32 v15, v3  }
.LBB2_18:
0xf9: {  	p0 =	sne.s32 s30, $0x1FC00;
	v12 =	vld [tilespmem:s29+$0x81F0];
	v7 =	vmul.f32 v7, v2  }
0xfa: {  	v13 =	vld [tilespmem:s29+$0x180];
	[tilespmem:s28+$0x101B0] =	vst v10;
	v9 =	vadd.f32 v11, v9;
	v5 =	vmul.f32 v5, v3  }
0xfb: {  	v10 =	vld [tilespmem:s29+$0x8180];
	v6 =	vmul.f32 v6, v2  }
0xfc: {  	v11 =	vld [tilespmem:s29+$0x190];
	[tilespmem:s28+$0x101C0] =	vst v9;
	v5 =	vadd.f32 v5, v7;
	v7 =	vmul.f32 v8, v3  }
0xfd: {  	v8 =	vld [tilespmem:s29+$0x8190]  }
0xfe: {  	v4 =	vmul.f32 v4, v2;
	v9 =	vld [tilespmem:s29+$0x1A0];
	v12 =	vmul.f32 v12, v3;
	[tilespmem:s28+$0x101D0] =	vst v5;
	v5 =	vadd.f32 v7, v6  }
0xff: {  	v6 =	vmul.f32 v13, v2;
	v7 =	vld [tilespmem:s29+$0x81A0]  }
0x100: {  	v10 =	vmul.f32 v10, v3;
	v13 =	vld [tilespmem:s29+$0x1B0];
	v4 =	vadd.f32 v12, v4;
	[tilespmem:s28+$0x101E0] =	vst v5;
	s28 =	smov.u32 s29  }
0x101: {  	v5 =	vmul.f32 v11, v2;
	v11 =	vld [tilespmem:s28+$0x81B0]  }
0x102: {  	v6 =	vadd.f32 v10, v6;
	v8 =	vmul.f32 v8, v3;
	v10 =	vld [tilespmem:s28+$0x1C0];
	[tilespmem:s28+$0x101F0] =	vst v4  }
0x103: {  	v4 =	vmul.f32 v9, v2;
	v12 =	vld [tilespmem:s28+$0x81C0]  }
.Ltmp8:
0x104: {  	[tilespmem:s28+$0x10180] =	vst v6;
	v6 =	vadd.f32 v8, v5;
	v8 =	vmul.f32 v7, v3;
	v7 =	vld [tilespmem:s28+$0x1D0];
	(pc) =	sbr.rel @p0 .LBB2_18-.Ltmp8, $4  }
0x105: {  	v13 =	vmul.f32 v13, v2;
	v5 =	vld [tilespmem:s28+$0x81D0]  }
0x106: {  	[tilespmem:s28+$0x10190] =	vst v6;
	v14 =	vadd.f32 v8, v4;
	v11 =	vmul.f32 v11, v3;
	v6 =	vld [tilespmem:s28+$0x1E0]  }
0x107: {  	s29 =	sshra.s32 s30, $0x2;
	v9 =	vmul.f32 v10, v2;
	v8 =	vld [tilespmem:s28+$0x81E0]  }
0x108: {  	s30 =	sadd.s32 $0x400, s30;
	v4 =	vld [tilespmem:s29+$0x1F0];
	[tilespmem:s28+$0x101A0] =	vst v14;
	v10 =	vadd.f32 v11, v13;
	v11 =	vmul.f32 v12, v3  }
0x109: {  	v12 =	vld [tilespmem:s29+$0x81F0]  }
0x10a: {  	v13 =	vld [tilespmem:s29+$0x180];
	v7 =	vmul.f32 v7, v2;
	[tilespmem:s28+$0x101B0] =	vst v10;
	v9 =	vadd.f32 v11, v9;
	v5 =	vmul.f32 v5, v3  }
0x10b: {  	v10 =	vld [tilespmem:s29+$0x8180]  }
0x10c: {  	v51 =	vld [tilespmem:s29+$0x190];
	v6 =	vmul.f32 v6, v2;
	[tilespmem:s28+$0x101C0] =	vst v9;
	v5 =	vadd.f32 v5, v7;
	v8 =	vmul.f32 v8, v3  }
0x10d: {  	v52 =	vld [tilespmem:s29+$0x8190]  }
0x10e: {  	v9 =	vld [tilespmem:s29+$0x1A0];
	[tilespmem:s28+$0x101D0] =	vst v5;
	v5 =	vadd.f32 v8, v6  }
0x10f: {  	v4 =	vmul.f32 v4, v2;
	v54 =	vmul.f32 v12, v3;
	v53 =	vld [tilespmem:s29+$0x81A0]  }
0x110: {  	v55 =	vld [tilespmem:s29+$0x1B0];
	[tilespmem:s28+$0x101E0] =	vst v5  }
0x111: {  	v4 =	vadd.f32 v54, v4;
	v56 =	vld [tilespmem:s29+$0x81B0]  }
0x112: {  	v5 =	vmul.f32 v13, v2;
	v10 =	vmul.f32 v10, v3;
	v57 =	vld [tilespmem:s29+$0x1C0]  }
0x113: {  	v58 =	vld [tilespmem:s29+$0x81C0];
	[tilespmem:s29+$0x101F0] =	vst v4;
	v4 =	vmul.f32 v51, v2;
	v7 =	vmul.f32 v52, v3  }
0x114: {  	v59 =	vld [tilespmem:s29+$0x81D0];
	v5 =	vadd.f32 v10, v5  }
0x115: {  	v60 =	vld [tilespmem:s29+$0x81E0];
	v4 =	vadd.f32 v7, v4  }
0x116: {  	[tilespmem:s29+$0x10180] =	vst v5;
	v5 =	vld [tilespmem:s29+$0x1D0]  }
0x117: {  	[tilespmem:s29+$0x10190] =	vst v4;
	v4 =	vld [tilespmem:s29+$0x1E0]  }
0x118: {  	v9 =	vmul.f32 v9, v2;
	v6 =	vmul.f32 v53, v3  }
0x119: {  	v12 =	vmul.f32 v55, v2;
	v8 =	vmul.f32 v56, v3  }
0x11a: {  	v6 =	vadd.f32 v6, v9;
	v61 =	vmul.f32 v57, v2;
	v10 =	vmul.f32 v58, v3  }
0x11b: {  	v7 =	vmul.f32 v59, v3;
	v8 =	vadd.f32 v8, v12;
	v5 =	vmul.f32 v5, v2  }
0x11c: {  	v63 =	vmul.f32 v60, v3;
	[tilespmem:s29+$0x101A0] =	vst v6;
	v62 =	vadd.f32 v10, v61;
	v4 =	vmul.f32 v4, v2  }
0x11d: {  	[tilespmem:s29+$0x101B0] =	vst v8;
	v5 =	vadd.f32 v7, v5  }
0x11e: {  	[tilespmem:s29+$0x101C0] =	vst v62;
	v4 =	vadd.f32 v63, v4  }
0x11f: {  	s31 =	sadd.s32 $0x0, s12;
	[tilespmem:s29+$0x101D0] =	vst v5  }
0x120: {  	s30 =	simm.s32 $0x10280;
	s28 =	simm.s32 $0x10180;
	[tilespmem:s29+$0x101E0] =	vst v4;
	s29 =	simm.s32 $0x10  }
.LBB2_20:
0x121: {  	[hbm4b:s31+s4] =	stream.linear.scatter [tilespmem:s28], [sflag:$0x6], $0x80, $0x38;
	[tilespmem:$0x18100] =	vst v63  }
0x122: {  	s31 =	smov.u32 s29;
	s28 =	smov.u32 s30;
	p0 =	sne.s32 s29, $0x7F0  }
.Ltmp9:
0x123: {  	s29 =	sadd.s32 $0x10, s29;
	(pc) =	sbr.rel @p0 .LBB2_20-.Ltmp9, $2  }
0x124: {  	_ =	sdelay $0x2  }
0x125: {  	s30 =	sadd.s32 $0x100, s30;
	s31 =	sadd.s32 s31, s12  }
0x126: {  	[hbm4b:s31+s4] =	stream.linear.scatter [tilespmem:s28], [sflag:$0x6], $0x80, $0x38;
	[tilespmem:$0x18100] =	vst v63  }
0x127: {  	_ =	swait.ge [sflag:s23], $0x4000  }
0x128: {  	s28 =	simm.s32 $0x180;
	s29 =	simm.s32 $0x10;
	[sflag:s23] =	ssyncset.done $0x0  }
0x129: {  	s31 =	sadd.s32 $0x0, s13;
	s30 =	simm.s32 $0x280;
	[sflag:s23] =	ssyncadd.s32 $0xFFFFC000  }
.LBB2_22:
0x12a: {  	[tilespmem:s28], [sflag:$0x3] =	stream.linear.gather [hbm4b:s31+s4], $0x80, $0x38;
	[tilespmem:$0x18100] =	vst v63  }
0x12b: {  	s31 =	smov.u32 s29;
	s28 =	smov.u32 s30;
	p0 =	sne.s32 s29, $0x7F0  }
.Ltmp10:
0x12c: {  	s29 =	sadd.s32 $0x10, s29;
	(pc) =	sbr.rel @p0 .LBB2_22-.Ltmp10, $2  }
0x12d: {  	_ =	sdelay $0x2  }
0x12e: {  	s30 =	sadd.s32 $0x100, s30;
	s31 =	sadd.s32 s31, s13  }
0x12f: {  	[tilespmem:s28], [sflag:$0x3] =	stream.linear.gather [hbm4b:s31+s4], $0x80, $0x38;
	[tilespmem:$0x18100] =	vst v63  }
0x130: {  	s28 =	simm.s32 $0x8180  }
0x131: {  	s29 =	simm.s32 $0x10;
	s31 =	sadd.s32 $0x0, s14;
	s30 =	simm.s32 $0x8280  }
.LBB2_24:
0x132: {  	[tilespmem:s28], [sflag:$0x5] =	stream.linear.gather [hbm4b:s31+s4], $0x80, $0x38;
	[tilespmem:$0x18100] =	vst v63  }
0x133: {  	s31 =	smov.u32 s29;
	s28 =	smov.u32 s30;
	p0 =	sne.s32 s29, $0x7F0  }
.Ltmp11:
0x134: {  	s29 =	sadd.s32 $0x10, s29;
	(pc) =	sbr.rel @p0 .LBB2_24-.Ltmp11, $2  }
0x135: {  	_ =	sdelay $0x2  }
0x136: {  	s30 =	sadd.s32 $0x100, s30;
	s31 =	sadd.s32 s31, s14  }
0x137: {  	[tilespmem:s28], [sflag:$0x5] =	stream.linear.gather [hbm4b:s31+s4], $0x80, $0x38;
	[tilespmem:$0x18100] =	vst v63  }
0x138: {  	_ =	swait.ge [sflag:s21], $0x4000  }
0x139: {  	[sflag:s21] =	ssyncset.done $0x0  }
0x13a: {  	[sflag:s21] =	ssyncadd.s32 $0xFFFFC000  }
0x13b: {  	_ =	swait.ge [sflag:s22], $0x4000  }
0x13c: {  	[sflag:s22] =	ssyncset.done $0x0  }
0x13d: {  	s28 =	simm.s32 $0x0;
	[sflag:s22] =	ssyncadd.s32 $0xFFFFC000  }
0x13e: {  	v4 =	vld [tilespmem:s28+$0x170]  }
0x13f: {  	v5 =	vld [tilespmem:s28+$0x8170]  }
0x140: {  	v6 =	vld [tilespmem:s28+$0x100]  }
0x141: {  	v7 =	vld [tilespmem:s28+$0x8100]  }
0x142: {  	v8 =	vld [tilespmem:s28+$0x110]  }
0x143: {  	v9 =	vld [tilespmem:s28+$0x8110]  }
0x144: {  	v10 =	vld [tilespmem:s28+$0x120]  }
0x145: {  	v11 =	vld [tilespmem:s28+$0x8120];
	v4 =	vmul.f32 v4, v2;
	v5 =	vmul.f32 v5, v3  }
0x146: {  	v12 =	vld [tilespmem:s28+$0x130]  }
0x147: {  	v13 =	vld [tilespmem:s28+$0x8130];
	v6 =	vmul.f32 v6, v2;
	v7 =	vmul.f32 v7, v3;
	v4 =	vadd.f32 v5, v4  }
0x148: {  	v14 =	vld [tilespmem:s28+$0x140]  }
0x149: {  	v15 =	vld [tilespmem:s28+$0x8140];
	v5 =	vadd.f32 v7, v6;
	v6 =	vmul.f32 v9, v3;
	[tilespmem:s28+$0x10170] =	vst v4;
	v4 =	vmul.f32 v8, v2  }
0x14a: {  	v7 =	vld [tilespmem:s28+$0x150];
	v9 =	vmul.f32 v11, v3;
	v8 =	vmul.f32 v10, v2  }
0x14b: {  	[tilespmem:s28+$0x10100] =	vst v5;
	v5 =	vld [tilespmem:s28+$0x8150];
	v4 =	vadd.f32 v6, v4  }
0x14c: {  	v63 =	vmul.f32 v13, v3;
	v10 =	vmul.f32 v12, v2;
	v6 =	vld [tilespmem:s28+$0x160];
	v11 =	vadd.f32 v9, v8  }
0x14d: {  	s29 =	simm.s32 $0x100;
	v8 =	vld [tilespmem:s28+$0x8160];
	[tilespmem:s28+$0x10110] =	vst v4  }
0x14e: {  	s30 =	simm.s32 $0x800;
	v9 =	vmul.f32 v14, v2;
	v10 =	vadd.f32 v63, v10;
	v4 =	vld [tilespmem:s29+$0x170];
	[tilespmem:s28+$0x10120] =	vst v11;
	v11 =	vmul.f32 v15, v3  }
.LBB2_26:
0x14f: {  	p0 =	sne.s32 s30, $0x1FC00;
	v12 =	vld [tilespmem:s29+$0x8170];
	v7 =	vmul.f32 v7, v2  }
0x150: {  	v13 =	vld [tilespmem:s29+$0x100];
	[tilespmem:s28+$0x10130] =	vst v10;
	v9 =	vadd.f32 v11, v9;
	v5 =	vmul.f32 v5, v3  }
0x151: {  	v10 =	vld [tilespmem:s29+$0x8100];
	v6 =	vmul.f32 v6, v2  }
0x152: {  	v11 =	vld [tilespmem:s29+$0x110];
	[tilespmem:s28+$0x10140] =	vst v9;
	v5 =	vadd.f32 v5, v7;
	v7 =	vmul.f32 v8, v3  }
0x153: {  	v8 =	vld [tilespmem:s29+$0x8110]  }
0x154: {  	v4 =	vmul.f32 v4, v2;
	v9 =	vld [tilespmem:s29+$0x120];
	v12 =	vmul.f32 v12, v3;
	[tilespmem:s28+$0x10150] =	vst v5;
	v5 =	vadd.f32 v7, v6  }
0x155: {  	v6 =	vmul.f32 v13, v2;
	v7 =	vld [tilespmem:s29+$0x8120]  }
0x156: {  	v10 =	vmul.f32 v10, v3;
	v13 =	vld [tilespmem:s29+$0x130];
	v4 =	vadd.f32 v12, v4;
	[tilespmem:s28+$0x10160] =	vst v5;
	s28 =	smov.u32 s29  }
0x157: {  	v5 =	vmul.f32 v11, v2;
	v11 =	vld [tilespmem:s28+$0x8130]  }
0x158: {  	v6 =	vadd.f32 v10, v6;
	v8 =	vmul.f32 v8, v3;
	v10 =	vld [tilespmem:s28+$0x140];
	[tilespmem:s28+$0x10170] =	vst v4  }
0x159: {  	v4 =	vmul.f32 v9, v2;
	v12 =	vld [tilespmem:s28+$0x8140]  }
.Ltmp12:
0x15a: {  	[tilespmem:s28+$0x10100] =	vst v6;
	v6 =	vadd.f32 v8, v5;
	v8 =	vmul.f32 v7, v3;
	v7 =	vld [tilespmem:s28+$0x150];
	(pc) =	sbr.rel @p0 .LBB2_26-.Ltmp12, $4  }
0x15b: {  	v13 =	vmul.f32 v13, v2;
	v5 =	vld [tilespmem:s28+$0x8150]  }
0x15c: {  	[tilespmem:s28+$0x10110] =	vst v6;
	v14 =	vadd.f32 v8, v4;
	v11 =	vmul.f32 v11, v3;
	v6 =	vld [tilespmem:s28+$0x160]  }
0x15d: {  	s29 =	sshra.s32 s30, $0x2;
	v9 =	vmul.f32 v10, v2;
	v8 =	vld [tilespmem:s28+$0x8160]  }
0x15e: {  	s30 =	sadd.s32 $0x400, s30;
	v4 =	vld [tilespmem:s29+$0x170];
	[tilespmem:s28+$0x10120] =	vst v14;
	v10 =	vadd.f32 v11, v13;
	v11 =	vmul.f32 v12, v3  }
0x15f: {  	v12 =	vld [tilespmem:s29+$0x8170]  }
0x160: {  	v13 =	vld [tilespmem:s29+$0x100];
	v7 =	vmul.f32 v7, v2;
	[tilespmem:s28+$0x10130] =	vst v10;
	v9 =	vadd.f32 v11, v9;
	v5 =	vmul.f32 v5, v3  }
0x161: {  	v10 =	vld [tilespmem:s29+$0x8100]  }
0x162: {  	v51 =	vld [tilespmem:s29+$0x110];
	v6 =	vmul.f32 v6, v2;
	[tilespmem:s28+$0x10140] =	vst v9;
	v5 =	vadd.f32 v5, v7;
	v8 =	vmul.f32 v8, v3  }
0x163: {  	v52 =	vld [tilespmem:s29+$0x8110]  }
0x164: {  	v9 =	vld [tilespmem:s29+$0x120];
	[tilespmem:s28+$0x10150] =	vst v5;
	v5 =	vadd.f32 v8, v6  }
0x165: {  	v4 =	vmul.f32 v4, v2;
	v54 =	vmul.f32 v12, v3;
	v53 =	vld [tilespmem:s29+$0x8120]  }
0x166: {  	v55 =	vld [tilespmem:s29+$0x130];
	[tilespmem:s28+$0x10160] =	vst v5  }
0x167: {  	v4 =	vadd.f32 v54, v4;
	v56 =	vld [tilespmem:s29+$0x8130]  }
0x168: {  	v5 =	vmul.f32 v13, v2;
	v10 =	vmul.f32 v10, v3;
	v57 =	vld [tilespmem:s29+$0x140]  }
0x169: {  	v58 =	vld [tilespmem:s29+$0x8140];
	[tilespmem:s29+$0x10170] =	vst v4;
	v4 =	vmul.f32 v51, v2;
	v7 =	vmul.f32 v52, v3  }
0x16a: {  	v59 =	vld [tilespmem:s29+$0x8150];
	v5 =	vadd.f32 v10, v5  }
0x16b: {  	v60 =	vld [tilespmem:s29+$0x8160];
	v4 =	vadd.f32 v7, v4  }
0x16c: {  	[tilespmem:s29+$0x10100] =	vst v5;
	v5 =	vld [tilespmem:s29+$0x150]  }
0x16d: {  	[tilespmem:s29+$0x10110] =	vst v4;
	v4 =	vld [tilespmem:s29+$0x160]  }
0x16e: {  	v9 =	vmul.f32 v9, v2;
	v6 =	vmul.f32 v53, v3  }
0x16f: {  	v12 =	vmul.f32 v55, v2;
	v8 =	vmul.f32 v56, v3  }
0x170: {  	v6 =	vadd.f32 v6, v9;
	v61 =	vmul.f32 v57, v2;
	v10 =	vmul.f32 v58, v3  }
0x171: {  	v7 =	vmul.f32 v59, v3;
	v8 =	vadd.f32 v8, v12;
	v5 =	vmul.f32 v5, v2  }
0x172: {  	v63 =	vmul.f32 v60, v3;
	[tilespmem:s29+$0x10120] =	vst v6;
	v62 =	vadd.f32 v10, v61;
	v4 =	vmul.f32 v4, v2  }
0x173: {  	[tilespmem:s29+$0x10130] =	vst v8;
	v5 =	vadd.f32 v7, v5  }
0x174: {  	[tilespmem:s29+$0x10140] =	vst v62;
	v4 =	vadd.f32 v63, v4  }
0x175: {  	s31 =	sadd.s32 $0x0, s15;
	[tilespmem:s29+$0x10150] =	vst v5  }
0x176: {  	s30 =	simm.s32 $0x10200;
	s28 =	simm.s32 $0x10100;
	[tilespmem:s29+$0x10160] =	vst v4;
	s29 =	simm.s32 $0x10  }
.LBB2_28:
0x177: {  	[hbm4b:s31+s4] =	stream.linear.scatter [tilespmem:s28], [sflag:$0x6], $0x80, $0x38;
	[tilespmem:$0x18100] =	vst v63  }
0x178: {  	s31 =	smov.u32 s29;
	s28 =	smov.u32 s30;
	p0 =	sne.s32 s29, $0x7F0  }
.Ltmp13:
0x179: {  	s29 =	sadd.s32 $0x10, s29;
	(pc) =	sbr.rel @p0 .LBB2_28-.Ltmp13, $2  }
0x17a: {  	_ =	sdelay $0x2  }
0x17b: {  	s30 =	sadd.s32 $0x100, s30;
	s31 =	sadd.s32 s31, s15  }
0x17c: {  	[hbm4b:s31+s4] =	stream.linear.scatter [tilespmem:s28], [sflag:$0x6], $0x80, $0x38;
	[tilespmem:$0x18100] =	vst v63  }
0x17d: {  	_ =	swait.ge [sflag:s23], $0x4000  }
0x17e: {  	[sflag:s23] =	ssyncset.done $0x0  }
0x17f: {  	[sflag:s23] =	ssyncadd.s32 $0xFFFFC000  }
0x180: {  	_ =	swait.ge [sflag:s24], $0x4000  }
0x181: {  	[sflag:s24] =	ssyncset.done $0x0  }
0x182: {  	[sflag:s24] =	ssyncadd.s32 $0xFFFFC000  }
0x183: {  	_ =	swait.ge [sflag:s25], $0x4000  }
0x184: {  	[sflag:s25] =	ssyncset.done $0x0  }
0x185: {  	s28 =	simm.s32 $0x0;
	[sflag:s25] =	ssyncadd.s32 $0xFFFFC000  }
0x186: {  	v4 =	vld [tilespmem:s28+$0x1F0]  }
0x187: {  	v5 =	vld [tilespmem:s28+$0x81F0]  }
0x188: {  	v6 =	vld [tilespmem:s28+$0x180]  }
0x189: {  	v7 =	vld [tilespmem:s28+$0x8180]  }
0x18a: {  	v8 =	vld [tilespmem:s28+$0x190]  }
0x18b: {  	v9 =	vld [tilespmem:s28+$0x8190]  }
0x18c: {  	v10 =	vld [tilespmem:s28+$0x1A0]  }
0x18d: {  	v11 =	vld [tilespmem:s28+$0x81A0];
	v4 =	vmul.f32 v4, v2;
	v5 =	vmul.f32 v5, v3  }
0x18e: {  	v12 =	vld [tilespmem:s28+$0x1B0]  }
0x18f: {  	v13 =	vld [tilespmem:s28+$0x81B0];
	v6 =	vmul.f32 v6, v2;
	v7 =	vmul.f32 v7, v3;
	v4 =	vadd.f32 v5, v4  }
0x190: {  	v14 =	vld [tilespmem:s28+$0x1C0]  }
0x191: {  	v15 =	vld [tilespmem:s28+$0x81C0];
	v5 =	vadd.f32 v7, v6;
	v6 =	vmul.f32 v9, v3;
	[tilespmem:s28+$0x101F0] =	vst v4;
	v4 =	vmul.f32 v8, v2  }
0x192: {  	v7 =	vld [tilespmem:s28+$0x1D0];
	v9 =	vmul.f32 v11, v3;
	v8 =	vmul.f32 v10, v2  }
0x193: {  	[tilespmem:s28+$0x10180] =	vst v5;
	v5 =	vld [tilespmem:s28+$0x81D0];
	v4 =	vadd.f32 v6, v4  }
0x194: {  	v63 =	vmul.f32 v13, v3;
	v10 =	vmul.f32 v12, v2;
	v6 =	vld [tilespmem:s28+$0x1E0];
	v11 =	vadd.f32 v9, v8  }
0x195: {  	s29 =	simm.s32 $0x100;
	v8 =	vld [tilespmem:s28+$0x81E0];
	[tilespmem:s28+$0x10190] =	vst v4  }
0x196: {  	s30 =	simm.s32 $0x800;
	v9 =	vmul.f32 v14, v2;
	v10 =	vadd.f32 v63, v10;
	v4 =	vld [tilespmem:s29+$0x1F0];
	[tilespmem:s28+$0x101A0] =	vst v11;
	v11 =	vmul.f32 v15, v3  }
.LBB2_30:
0x197: {  	p0 =	sne.s32 s30, $0x1FC00;
	v12 =	vld [tilespmem:s29+$0x81F0];
	v7 =	vmul.f32 v7, v2  }
0x198: {  	v13 =	vld [tilespmem:s29+$0x180];
	[tilespmem:s28+$0x101B0] =	vst v10;
	v9 =	vadd.f32 v11, v9;
	v5 =	vmul.f32 v5, v3  }
0x199: {  	v10 =	vld [tilespmem:s29+$0x8180];
	v6 =	vmul.f32 v6, v2  }
0x19a: {  	v11 =	vld [tilespmem:s29+$0x190];
	[tilespmem:s28+$0x101C0] =	vst v9;
	v5 =	vadd.f32 v5, v7;
	v7 =	vmul.f32 v8, v3  }
0x19b: {  	v8 =	vld [tilespmem:s29+$0x8190]  }
0x19c: {  	v4 =	vmul.f32 v4, v2;
	v9 =	vld [tilespmem:s29+$0x1A0];
	v12 =	vmul.f32 v12, v3;
	[tilespmem:s28+$0x101D0] =	vst v5;
	v5 =	vadd.f32 v7, v6  }
0x19d: {  	v6 =	vmul.f32 v13, v2;
	v7 =	vld [tilespmem:s29+$0x81A0]  }
0x19e: {  	v10 =	vmul.f32 v10, v3;
	v13 =	vld [tilespmem:s29+$0x1B0];
	v4 =	vadd.f32 v12, v4;
	[tilespmem:s28+$0x101E0] =	vst v5;
	s28 =	smov.u32 s29  }
0x19f: {  	v5 =	vmul.f32 v11, v2;
	v11 =	vld [tilespmem:s28+$0x81B0]  }
0x1a0: {  	v6 =	vadd.f32 v10, v6;
	v8 =	vmul.f32 v8, v3;
	v10 =	vld [tilespmem:s28+$0x1C0];
	[tilespmem:s28+$0x101F0] =	vst v4  }
0x1a1: {  	v4 =	vmul.f32 v9, v2;
	v12 =	vld [tilespmem:s28+$0x81C0]  }
.Ltmp14:
0x1a2: {  	[tilespmem:s28+$0x10180] =	vst v6;
	v6 =	vadd.f32 v8, v5;
	v8 =	vmul.f32 v7, v3;
	v7 =	vld [tilespmem:s28+$0x1D0];
	(pc) =	sbr.rel @p0 .LBB2_30-.Ltmp14, $4  }
0x1a3: {  	v13 =	vmul.f32 v13, v2;
	v5 =	vld [tilespmem:s28+$0x81D0]  }
0x1a4: {  	[tilespmem:s28+$0x10190] =	vst v6;
	v14 =	vadd.f32 v8, v4;
	v11 =	vmul.f32 v11, v3;
	v6 =	vld [tilespmem:s28+$0x1E0]  }
0x1a5: {  	s29 =	sshra.s32 s30, $0x2;
	v9 =	vmul.f32 v10, v2;
	v8 =	vld [tilespmem:s28+$0x81E0]  }
0x1a6: {  	s30 =	sadd.s32 $0x400, s30;
	v4 =	vld [tilespmem:s29+$0x1F0];
	[tilespmem:s28+$0x101A0] =	vst v14;
	v10 =	vadd.f32 v11, v13;
	v11 =	vmul.f32 v12, v3  }
0x1a7: {  	v12 =	vld [tilespmem:s29+$0x81F0]  }
0x1a8: {  	v13 =	vld [tilespmem:s29+$0x180];
	v7 =	vmul.f32 v7, v2;
	[tilespmem:s28+$0x101B0] =	vst v10;
	v9 =	vadd.f32 v11, v9;
	v5 =	vmul.f32 v5, v3  }
0x1a9: {  	v10 =	vld [tilespmem:s29+$0x8180]  }
0x1aa: {  	v46 =	vld [tilespmem:s29+$0x190];
	v6 =	vmul.f32 v6, v2;
	[tilespmem:s28+$0x101C0] =	vst v9;
	v5 =	vadd.f32 v5, v7;
	v8 =	vmul.f32 v8, v3  }
0x1ab: {  	v47 =	vld [tilespmem:s29+$0x8190]  }
0x1ac: {  	v9 =	vld [tilespmem:s29+$0x1A0];
	[tilespmem:s28+$0x101D0] =	vst v5;
	v48 =	vadd.f32 v8, v6  }
0x1ad: {  	v49 =	vld [tilespmem:s29+$0x81A0]  }
0x1ae: {  	v51 =	vld [tilespmem:s29+$0x1B0];
	[tilespmem:s28+$0x101E0] =	vst v48  }
0x1af: {  	v53 =	vld [tilespmem:s29+$0x81B0]  }
0x1b0: {  	v54 =	vld [tilespmem:s29+$0x1C0]  }
0x1b1: {  	v56 =	vld [tilespmem:s29+$0x81C0]  }
0x1b2: {  	v57 =	vld [tilespmem:s29+$0x1D0]  }
0x1b3: {  	v4 =	vmul.f32 v4, v2;
	v50 =	vmul.f32 v12, v3;
	v58 =	vld [tilespmem:s29+$0x81D0]  }
0x1b4: {  	v52 =	vmul.f32 v13, v2;
	v10 =	vmul.f32 v10, v3;
	v59 =	vld [tilespmem:s29+$0x1E0]  }
0x1b5: {  	v4 =	vadd.f32 v50, v4;
	v55 =	vmul.f32 v46, v2;
	v60 =	vld [tilespmem:s29+$0x81E0];
	v7 =	vmul.f32 v47, v3  }
0x1b6: {  	v5 =	vadd.f32 v10, v52;
	v9 =	vmul.f32 v9, v2;
	v6 =	vmul.f32 v49, v3  }
0x1b7: {  	[tilespmem:s29+$0x101F0] =	vst v4;
	v4 =	vadd.f32 v7, v55;
	v12 =	vmul.f32 v51, v2;
	v8 =	vmul.f32 v53, v3  }
0x1b8: {  	[tilespmem:s29+$0x10180] =	vst v5;
	v6 =	vadd.f32 v6, v9;
	v61 =	vmul.f32 v54, v2;
	v10 =	vmul.f32 v56, v3  }
0x1b9: {  	[tilespmem:s29+$0x10190] =	vst v4;
	v5 =	vmul.f32 v57, v2;
	v7 =	vmul.f32 v58, v3;
	v8 =	vadd.f32 v8, v12  }
0x1ba: {  	v2 =	vmul.f32 v59, v2;
	v3 =	vmul.f32 v60, v3;
	[tilespmem:s29+$0x101A0] =	vst v6;
	v62 =	vadd.f32 v10, v61  }
0x1bb: {  	v63 =	vadd.f32 v7, v5;
	[tilespmem:s29+$0x101B0] =	vst v8  }
0x1bc: {  	v2 =	vadd.f32 v3, v2;
	[tilespmem:s29+$0x101C0] =	vst v62  }
0x1bd: {  	s31 =	sadd.s32 $0x0, s16;
	[tilespmem:s29+$0x101D0] =	vst v63  }
0x1be: {  	s30 =	simm.s32 $0x10280;
	s28 =	simm.s32 $0x10180;
	[tilespmem:s29+$0x101E0] =	vst v2;
	s29 =	simm.s32 $0x10  }
.LBB2_32:
0x1bf: {  	[hbm4b:s31+s4] =	stream.linear.scatter [tilespmem:s28], [sflag:$0x6], $0x80, $0x38;
	[tilespmem:$0x18100] =	vst v63  }
0x1c0: {  	s31 =	smov.u32 s29;
	s28 =	smov.u32 s30;
	p0 =	sne.s32 s29, $0x7F0  }
.Ltmp15:
0x1c1: {  	s29 =	sadd.s32 $0x10, s29;
	(pc) =	sbr.rel @p0 .LBB2_32-.Ltmp15, $2  }
0x1c2: {  	_ =	sdelay $0x2  }
0x1c3: {  	s30 =	sadd.s32 $0x100, s30;
	s31 =	sadd.s32 s31, s16  }
0x1c4: {  	s26 =	sadd.s32 $0x1, s26  }
0x1c5: {  	p0 =	sne.s32 s26, s17  }
.Ltmp16:
0x1c6: {  	_ = 	snop;
	(pc) =	sbr.rel @p0 .LBB2_1-.Ltmp16, $4  }
0x1c7: {  	[hbm4b:s31+s4] =	stream.linear.scatter [tilespmem:s28], [sflag:$0x6], $0x80, $0x38;
	[tilespmem:$0x18100] =	vst v63  }
0x1c8: {  	_ =	swait.ge [sflag:s23], $0x4000  }
0x1c9: {  	[sflag:s23] =	ssyncset.done $0x0  }
0x1ca: {  	[sflag:s23] =	ssyncadd.s32 $0xFFFFC000  }
0x1cb: {  	_ =	sfence.sel $0x180000  }
0x1cc: {  	[bflag:$0x0] =	sbarrier.arrive $0xFFFF  }
0x1cd: {  	p0 =	sne.s32 s3, $0x0;
	_ =	strace $0x90000047  }
0x1ce: {  	s0 =	sadd.s32 @!p0 $0x100000, s0;
	[bflag:$0x2] =	sbarrier.arrive $0xFFFF  }
0x1cf: {  	[sflag:s0] =	ssyncadd.tile.s32 @!p0 $0x1;
	_ =	shalt  }
.Lfunc_end2:
_tile_overlayer_lowered:
.L_overlay_start_2:
0x1d0: {  	(tag) =	ssettag $0x2  }
0x1d1: {  	s0 =	rddreg [dreg:$0x0];
	s2 =	stileid.u32  }
0x1d2: {  	s1 =	rddreg [dreg:$0x1];
	p0 =	sne.s32 s2, $0x0  }
0x1d3: {  	s3 =	rddreg [dreg:$0x2];
	[bflag:$0x3] =	sbarrier.arrive $0xFFFF;
	s2 =	simm.s32 @!p0 $0x1C06  }
0x1d4: {  	[timem:s3], [sflag:s2] =	dma.local @!p0 [hbm:s0], s1  }
0x1d5: {  	s0 =	simm.s32 @!p0 $0x6  }
0x1d6: {  	_ =	swait.ge @!p0 [sflag:s0], s1  }
0x1d7: {  	s1 =	ssub.s32 @!p0 $0x0, s1;
	[sflag:s0] =	ssyncset.done @!p0 $0x0  }
0x1d8: {  	[sflag:s0] =	ssyncadd.s32 @!p0 s1  }
0x1d9: {  	[bflag:$0x3] =	sbarrier.arrive $0xFFFF  }
0x1da: {  	_ =	shalt  }

</sc_bundles>
